<compile_context>
chip_gen: v7x
topology: tpu7x:2x2x1
jax: 0.10.2.dev20260603
libtpu: 0.0.44.dev20260713+nightly
codegen_flags: <defaults>
</compile_context>

<pallas_src>
import functools

import jax
import jax.numpy as jnp
from jax import lax
from jax.experimental import pallas as pl
from jax.experimental.pallas import tpu as pltpu
from jax.experimental.pallas import tpu_sc as plsc

B, S, N, F = 2, 16, 256, 128
H = 128
O = 128
G = B * S
R_TOT = B * S * N
L = 16
NC, NS = 2, 16
RB = 4
NBUF = 2

NW = NC * NS
G_SC = 8
G_TC = G - G_SC
NROWS_W = G_SC * N // NW
NBLK_W = NROWS_W // RB


def _group_rowsum_body(adj_hbm, out_hbm, *args):
    bufs = args[:NBUF]
    acc0, acc1 = args[NBUF], args[NBUF + 1]
    sems = args[NBUF + 2:NBUF + 2 + NBUF]
    wid = lax.axis_index("s") * NC + lax.axis_index("c")
    base = wid * NROWS_W
    g0 = (wid * NROWS_W) // N
    kb = ((g0 + 1) * N - base) // RB

    for i in range(NBUF):
        pltpu.async_copy(adj_hbm.at[pl.ds(base + i * RB, RB)], bufs[i], sems[i])

    @plsc.parallel_loop(0, R_TOT // L, unroll=8)
    def _zero(j):
        sl = pl.ds(j * L, L)
        acc0[sl] = jnp.zeros((L,), jnp.float32)
        acc1[sl] = jnp.zeros((L,), jnp.float32)

    @pl.loop(0, NBLK_W // NBUF)
    def _blocks(kk):
        for par in range(NBUF):
            k = kk * NBUF + par
            buf = bufs[par]
            sem = sems[par]
            pltpu.make_async_copy(adj_hbm.at[pl.ds(0, RB)], buf, sem).wait()

            for acc, cond in ((acc0, k < kb), (acc1, k >= kb)):
                @pl.when(cond)
                def _do(acc=acc):
                    @plsc.parallel_loop(0, R_TOT // L, unroll=8)
                    def _accum(j):
                        sl = pl.ds(j * L, L)
                        s01 = buf[0, sl] + buf[1, sl]
                        s23 = buf[2, sl] + buf[3, sl]
                        plsc.addupdate(acc.at[sl], s01 + s23)

            @pl.when(k < NBLK_W - NBUF)
            def _prefetch():
                pltpu.async_copy(
                    adj_hbm.at[pl.ds(base + (k + NBUF) * RB, RB)], buf, sem
                )

    pltpu.sync_copy(acc0, out_hbm.at[wid, 0])
    pltpu.sync_copy(acc1, out_hbm.at[wid, 1])


@functools.cache
def _group_rowsum():
    mesh = plsc.VectorSubcoreMesh(
        core_axis_name="c", subcore_axis_name="s", num_cores=NC, num_subcores=NS
    )
    return pl.kernel(
        _group_rowsum_body,
        out_type=jax.ShapeDtypeStruct((NW, 2, R_TOT), jnp.float32),
        mesh=mesh,
        scratch_types=(
            [pltpu.VMEM((RB, R_TOT), jnp.float32) for _ in range(NBUF)]
            + [pltpu.VMEM((R_TOT,), jnp.float32)] * 2
            + [pltpu.SemaphoreType.DMA for _ in range(NBUF)]
        ),
    )


def _bf(v):
    return v.astype(jnp.bfloat16).astype(jnp.float32)


def _tc_rowsum_body(adj_ref, out_ref):
    out_ref[...] = adj_ref[...].sum(axis=0)[None, None, :]


_tc_rowsum = pl.pallas_call(
    _tc_rowsum_body,
    grid=(G_TC,),
    in_specs=[pl.BlockSpec((N, R_TOT), lambda i: (G_SC + i, 0))],
    out_specs=pl.BlockSpec((1, 1, R_TOT), lambda i: (i, 0, 0)),
    out_shape=jax.ShapeDtypeStruct((G_TC, 1, R_TOT), jnp.float32),
)


def _fused_body(x_ref, rsc_ref, rtc_ref, wgc_ref, bgc_ref, wconvt_ref,
                bconv_ref, bng_ref, bnb_ref, lng_ref, lnb_ref, out_ref):
    hi = lax.Precision.HIGHEST
    xr = x_ref[...].reshape(R_TOT, F)
    parts = rsc_ref[...].reshape(NW * 2, R_TOT)
    g_i = lax.broadcasted_iota(jnp.int32, (G_SC, NW * 2), 0)
    c_i = lax.broadcasted_iota(jnp.int32, (G_SC, NW * 2), 1)
    w_i = c_i // 2
    tgt = (w_i * NROWS_W) // N + (c_i % 2)
    m = (g_i == tgt).astype(jnp.float32)
    r_sc = jnp.dot(m, parts, preferred_element_type=jnp.float32, precision=hi)
    r = jnp.concatenate([r_sc, rtc_ref[...]], axis=0)
    support = jnp.dot(_bf(xr), _bf(wgc_ref[...]),
                      preferred_element_type=jnp.float32, precision=hi)
    rx = jnp.dot(r, _bf(support),
                 preferred_element_type=jnp.float32, precision=hi)
    ti = rx * (1.0 / N) + bgc_ref[...][None, :]

    r_i = lax.broadcasted_iota(jnp.int32, (G, G), 0)
    c_i = lax.broadcasted_iota(jnp.int32, (G, G), 1)
    sh_dn = ((r_i == c_i + 1) & (r_i % S != 0)).astype(jnp.float32)
    sh_up = ((r_i + 1 == c_i) & (c_i % S != 0)).astype(jnp.float32)
    ti16 = _bf(ti)
    wc16 = _bf(wconvt_ref[...])
    tm1 = jnp.dot(sh_dn, ti16, preferred_element_type=jnp.float32, precision=hi)
    tp1 = jnp.dot(sh_up, ti16, preferred_element_type=jnp.float32, precision=hi)
    t = (jnp.dot(tm1, wc16[0], preferred_element_type=jnp.float32, precision=hi)
         + jnp.dot(ti16, wc16[1], preferred_element_type=jnp.float32, precision=hi)
         + jnp.dot(tp1, wc16[2], preferred_element_type=jnp.float32, precision=hi)
         + bconv_ref[...][None, :])

    mean = jnp.mean(t, axis=0, keepdims=True)
    var = jnp.mean((t - mean) ** 2, axis=0, keepdims=True)
    t = (t - mean) * lax.rsqrt(var + 1e-5) * bng_ref[...][None, :] + bnb_ref[...][None, :]
    t = jnp.maximum(t, 0.0)

    o = x_ref[...].reshape(G, N, F) + t[:, None, :]
    mu = jnp.mean(o, axis=-1, keepdims=True)
    v = jnp.mean((o - mu) ** 2, axis=-1, keepdims=True)
    o = (o - mu) * lax.rsqrt(v + 1e-5) * lng_ref[...] + lnb_ref[...]
    out_ref[...] = o.reshape(B, S, N, F)


_tc_fused = pl.pallas_call(
    _fused_body,
    out_shape=jax.ShapeDtypeStruct((B, S, N, F), jnp.float32),
)


def kernel(x, adj, W_gc, b_gc, W_conv, b_conv, bn_gamma, bn_beta,
           ln_gamma, ln_beta):
    r_sc = _group_rowsum()(adj)
    r_tc = _tc_rowsum(adj).reshape(G_TC, R_TOT)
    wconv_t = jnp.transpose(W_conv, (2, 1, 0))
    return _tc_fused(x, r_sc, r_tc, W_gc, b_gc, wconv_t, b_conv,
                     bn_gamma, bn_beta, ln_gamma, ln_beta)

# --- scband reference (transcript-rebuilt; emitter-appended) ---
"""Pipeline reference for scband-spatial-temporal-block-11553462026677 (READ-ONLY COPY).

The authoritative reference and input builder live on the scoring server;
editing this copy changes nothing except your own understanding.
"""

import jax, jax.numpy as jnp
import numpy as np

B, S, N, F = 2, 16, 256, 128
H, O = 128, 128

def setup_inputs(seed: int = 0) -> dict:
    key = jax.random.key(seed)
    ks = jax.random.split(key, 8)
    x = jax.random.normal(ks[0], (B, S, N, F), dtype=jnp.float32)
    adj = jax.random.uniform(ks[1], (B * S * N, B * S * N), dtype=jnp.float32)
    stdv = 1.0 / np.sqrt(H)
    W_gc = jax.random.uniform(ks[2], (F, H), minval=-stdv, maxval=stdv, dtype=jnp.float32)
    b_gc = jax.random.uniform(ks[3], (H,), minval=-stdv, maxval=stdv, dtype=jnp.float32)
    bound = 1.0 / np.sqrt(H * 3)
    W_conv = jax.random.uniform(ks[4], (O, H, 3), minval=-bound, maxval=bound, dtype=jnp.float32)
    b_conv = jax.random.uniform(ks[5], (O,), minval=-bound, maxval=bound, dtype=jnp.float32)
    bn_gamma = jnp.ones((O,), dtype=jnp.float32)
    bn_beta = jnp.zeros((O,), dtype=jnp.float32)
    ln_gamma = jnp.ones((O,), dtype=jnp.float32)
    ln_beta = jnp.zeros((O,), dtype=jnp.float32)
    return {"x": x, "adj": adj, "W_gc": W_gc, "b_gc": b_gc, "W_conv": W_conv, "b_conv": b_conv, "bn_gamma": bn_gamma, "bn_beta": bn_beta, "ln_gamma": ln_gamma, "ln_beta": ln_beta}

def reference(x, adj, W_gc, b_gc, W_conv, b_conv, bn_gamma, bn_beta, ln_gamma, ln_beta):
    b, s, n, f = x.shape
    xr = x.reshape(-1, f)
    support = xr @ W_gc
    spatial = adj @ support + b_gc
    spatial = spatial.reshape(b, s, n, -1)
    temporal_input = spatial.mean(axis=2)  # [B, S, H]
    t = jnp.transpose(temporal_input, (0, 2, 1))  # [B, H, S]
    t = jax.lax.conv_general_dilated(t, W_conv, window_strides=(1,), padding=((1, 1),), dimension_numbers=("NCH", "OIH", "NCH"))
    t = t + b_conv[None, :, None]
    # BatchNorm1d in training mode (batch statistics, biased variance)
    mean = t.mean(axis=(0, 2), keepdims=True)
    var = t.var(axis=(0, 2), keepdims=True)
    t = (t - mean) / jnp.sqrt(var + 1e-5) * bn_gamma[None, :, None] + bn_beta[None, :, None]
    t = jax.nn.relu(t)
    t = jnp.transpose(t, (0, 2, 1))  # [B, S, O]
    temporal_out = t[:, :, None, :]  # broadcast over nodes (expand)
    residual = x  # in_features == out_features -> nn.Identity
    out = temporal_out + residual
    mu = out.mean(axis=-1, keepdims=True)
    v = out.var(axis=-1, keepdims=True)
    out = (out - mu) / jnp.sqrt(v + 1e-5) * ln_gamma + ln_beta
    # dropout treated as identity (eval / deterministic reference)
    return out

if __name__ == "__main__":
    import jax
    _d = setup_inputs()
    print(jax.jit(kernel)(*tuple(_d.values())))

</pallas_src>

<mosaic_0001>
#map = affine_map<(d0, d1) -> (0, 0)>
#map1 = affine_map<(d0, d1) -> (0, 0, 0)>
module attributes {stable_mosaic.version = 14 : i64} {
  func.func @_group_rowsum_body(%arg0: i32, %arg1: i32, %arg2: memref<8192x8192xf32, #tpu.memory_space<hbm>>, %arg3: memref<32x2x8192xf32, #tpu.memory_space<hbm>>, %arg4: memref<4x8192xf32, #tpu.memory_space<vmem>>, %arg5: memref<4x8192xf32, #tpu.memory_space<vmem>>, %arg6: memref<8192xf32, #tpu.memory_space<vmem>>, %arg7: memref<8192xf32, #tpu.memory_space<vmem>>, %arg8: memref<!tpu.dma_semaphore, #tpu.memory_space<semaphore_mem>>, %arg9: memref<!tpu.dma_semaphore, #tpu.memory_space<semaphore_mem>>) attributes {dimension_semantics = [#tpu.dimension_semantics<core_parallel>, #tpu.dimension_semantics<subcore_parallel>], iteration_bounds = array<i64: 2, 16>, scalar_prefetch = 0 : i64, scratch_operands = 6 : i64, tpu.core_type = #tpu.core_type<sc_vector_subcore>, window_params = [{transform_indices = #map}, {transform_indices = #map1}]} {
    %mul3A = arith.constant 2 : i32
    %mul3A_0 = arith.muli %arg1, %mul3A : i32
    %add3A = arith.addi %mul3A_0, %arg0 : i32
    %mul3A_1 = arith.constant 64 : i32
    %mul3A_2 = arith.muli %add3A, %mul3A_1 : i32
    %mul3A_3 = arith.constant 64 : i32
    %mul3A_4 = arith.muli %add3A, %mul3A_3 : i32
    %jit3A = arith.constant 256 : i32
    %div3A = arith.divsi %mul3A_4, %jit3A : i32
    %sign3A = arith.constant 0 : i32
    %sign3A_5 = arith.cmpi sgt, %mul3A_4, %sign3A : i32
    %sign3A_6 = arith.extui %sign3A_5 : i1 to i32
    %sign3A_7 = arith.constant 0 : i32
    %sign3A_8 = arith.cmpi slt, %mul3A_4, %sign3A_7 : i32
    %sign3A_9 = arith.extui %sign3A_8 : i1 to i32
    %sign3A_10 = arith.subi %sign3A_6, %sign3A_9 : i32
    %sign3A_11 = arith.constant 0 : i32
    %sign3A_12 = arith.cmpi sgt, %jit3A, %sign3A_11 : i32
    %sign3A_13 = arith.extui %sign3A_12 : i1 to i32
    %sign3A_14 = arith.constant 0 : i32
    %sign3A_15 = arith.cmpi slt, %jit3A, %sign3A_14 : i32
    %sign3A_16 = arith.extui %sign3A_15 : i1 to i32
    %sign3A_17 = arith.subi %sign3A_13, %sign3A_16 : i32
    %ne3A = arith.cmpi ne, %sign3A_10, %sign3A_17 : i32
    %rem3A = arith.remsi %mul3A_4, %jit3A : i32
    %ne3A_18 = arith.constant 0 : i32
    %ne3A_19 = arith.cmpi ne, %rem3A, %ne3A_18 : i32
    %and3A = arith.andi %ne3A, %ne3A_19 : i1
    %sub3A = arith.constant 1 : i32
    %sub3A_20 = arith.subi %div3A, %sub3A : i32
    %select_n3A = arith.select %and3A, %sub3A_20, %div3A : i32
    %add3A_21 = arith.constant 1 : i32
    %add3A_22 = arith.addi %select_n3A, %add3A_21 : i32
    %mul3A_23 = arith.constant 256 : i32
    %mul3A_24 = arith.muli %add3A_22, %mul3A_23 : i32
    %sub3A_25 = arith.subi %mul3A_24, %mul3A_2 : i32
    %jit3A_26 = arith.constant 4 : i32
    %div3A_27 = arith.divsi %sub3A_25, %jit3A_26 : i32
    %sign3A_28 = arith.constant 0 : i32
    %sign3A_29 = arith.cmpi sgt, %sub3A_25, %sign3A_28 : i32
    %sign3A_30 = arith.extui %sign3A_29 : i1 to i32
    %sign3A_31 = arith.constant 0 : i32
    %sign3A_32 = arith.cmpi slt, %sub3A_25, %sign3A_31 : i32
    %sign3A_33 = arith.extui %sign3A_32 : i1 to i32
    %sign3A_34 = arith.subi %sign3A_30, %sign3A_33 : i32
    %sign3A_35 = arith.constant 0 : i32
    %sign3A_36 = arith.cmpi sgt, %jit3A_26, %sign3A_35 : i32
    %sign3A_37 = arith.extui %sign3A_36 : i1 to i32
    %sign3A_38 = arith.constant 0 : i32
    %sign3A_39 = arith.cmpi slt, %jit3A_26, %sign3A_38 : i32
    %sign3A_40 = arith.extui %sign3A_39 : i1 to i32
    %sign3A_41 = arith.subi %sign3A_37, %sign3A_40 : i32
    %ne3A_42 = arith.cmpi ne, %sign3A_34, %sign3A_41 : i32
    %rem3A_43 = arith.remsi %sub3A_25, %jit3A_26 : i32
    %ne3A_44 = arith.constant 0 : i32
    %ne3A_45 = arith.cmpi ne, %rem3A_43, %ne3A_44 : i32
    %and3A_46 = arith.andi %ne3A_42, %ne3A_45 : i1
    %sub3A_47 = arith.constant 1 : i32
    %sub3A_48 = arith.subi %div3A_27, %sub3A_47 : i32
    %select_n3A_49 = arith.select %and3A_46, %sub3A_48, %div3A_27 : i32
    %add3A_50 = arith.constant 0 : i32
    %add3A_51 = arith.addi %mul3A_2, %add3A_50 : i32
    %dma_start3A = arith.constant 0 : i32
    %dma_start3A_52 = tpu.memref_slice %arg2[%add3A_51, %dma_start3A] : memref<8192x8192xf32, #tpu.memory_space<hbm>> -> memref<4x8192xf32, #tpu.memory_space<hbm>>
    %dma_start3A_53 = arith.constant 0 : i32
    %dma_start3A_54 = tpu.memref_slice %arg2[%add3A_51, %dma_start3A_53] : memref<8192x8192xf32, #tpu.memory_space<hbm>> -> memref<4x8192xf32, #tpu.memory_space<hbm>>
    tpu.enqueue_dma source(%dma_start3A_54 : memref<4x8192xf32, #tpu.memory_space<hbm>>) target(%arg4 : memref<4x8192xf32, #tpu.memory_space<vmem>>) target_semaphore(%arg8 : memref<!tpu.dma_semaphore, #tpu.memory_space<semaphore_mem>>)
    %add3A_55 = arith.constant 4 : i32
    %add3A_56 = arith.addi %mul3A_2, %add3A_55 : i32
    %dma_start3A_57 = arith.constant 0 : i32
    %dma_start3A_58 = tpu.memref_slice %arg2[%add3A_56, %dma_start3A_57] : memref<8192x8192xf32, #tpu.memory_space<hbm>> -> memref<4x8192xf32, #tpu.memory_space<hbm>>
    %dma_start3A_59 = arith.constant 0 : i32
    %dma_start3A_60 = tpu.memref_slice %arg2[%add3A_56, %dma_start3A_59] : memref<8192x8192xf32, #tpu.memory_space<hbm>> -> memref<4x8192xf32, #tpu.memory_space<hbm>>
    tpu.enqueue_dma source(%dma_start3A_60 : memref<4x8192xf32, #tpu.memory_space<hbm>>) target(%arg5 : memref<4x8192xf32, #tpu.memory_space<vmem>>) target_semaphore(%arg9 : memref<!tpu.dma_semaphore, #tpu.memory_space<semaphore_mem>>)
    %parallel_loop3A = arith.constant 0 : i32
    %parallel_loop3A_61 = arith.constant 512 : i32
    %parallel_loop3A_62 = arith.constant 1 : i32
    scf.for %parallel_loop3A_68 = %parallel_loop3A to %parallel_loop3A_61 step %parallel_loop3A_62  : i32 {
      %parallel_loop3A_69 = arith.constant 16 : i32
      %parallel_loop3A_70 = arith.muli %parallel_loop3A_68, %parallel_loop3A_69 : i32
      %parallel_loop3A_71 = arith.constant 0.000000e+00 : f32
      %parallel_loop3A_72 = vector.broadcast %parallel_loop3A_71 : f32 to vector<16xf32>
      %parallel_loop3A_73 = arith.index_cast %parallel_loop3A_70 : i32 to index
      %parallel_loop3A_74 = tpu.vector_load %arg6[%parallel_loop3A_73] {strides = array<i32>} : memref<8192xf32, #tpu.memory_space<vmem>>, vector<16xf32>,
      %parallel_loop3A_75 = vector.shape_cast %parallel_loop3A_74 : vector<16xf32> to vector<16xf32>
      %parallel_loop3A_76 = vector.shape_cast %parallel_loop3A_72 : vector<16xf32> to vector<16xf32>
      tpu.vector_store %arg6[%parallel_loop3A_73], %parallel_loop3A_76 {strides = array<i32>} : memref<8192xf32, #tpu.memory_space<vmem>>, vector<16xf32>,
      %parallel_loop3A_77 = arith.constant 0.000000e+00 : f32
      %parallel_loop3A_78 = vector.broadcast %parallel_loop3A_77 : f32 to vector<16xf32>
      %parallel_loop3A_79 = arith.index_cast %parallel_loop3A_70 : i32 to index
      %parallel_loop3A_80 = tpu.vector_load %arg7[%parallel_loop3A_79] {strides = array<i32>} : memref<8192xf32, #tpu.memory_space<vmem>>, vector<16xf32>,
      %parallel_loop3A_81 = vector.shape_cast %parallel_loop3A_80 : vector<16xf32> to vector<16xf32>
      %parallel_loop3A_82 = vector.shape_cast %parallel_loop3A_78 : vector<16xf32> to vector<16xf32>
      tpu.vector_store %arg7[%parallel_loop3A_79], %parallel_loop3A_82 {strides = array<i32>} : memref<8192xf32, #tpu.memory_space<vmem>>, vector<16xf32>,
    } {sc.loop_unroll_factor = 8 : i64, sc.parallel_access}
    %scan3A = arith.constant 0 : i32
    %scan3A_63 = arith.constant 8 : i32
    %scan3A_64 = arith.addi %scan3A, %scan3A_63 : i32
    %scan3A_65 = arith.constant 1 : i32
    scf.for %scan3A_68 = %scan3A to %scan3A_64 step %scan3A_65  : i32 {
      %mul3A_69 = arith.constant 1 : i32
      %mul3A_70 = arith.muli %scan3A_68, %mul3A_69 : i32
      %add3A_71 = arith.constant 0 : i32
      %add3A_72 = arith.addi %add3A_71, %mul3A_70 : i32
      %mul3A_73 = arith.constant 2 : i32
      %mul3A_74 = arith.muli %add3A_72, %mul3A_73 : i32
      %add3A_75 = arith.constant 0 : i32
      %add3A_76 = arith.addi %mul3A_74, %add3A_75 : i32
      %dma_wait3A = arith.constant 0 : i32
      %dma_wait3A_77 = arith.constant 0 : i32
      %dma_wait3A_78 = tpu.memref_slice %arg2[%dma_wait3A, %dma_wait3A_77] : memref<8192x8192xf32, #tpu.memory_space<hbm>> -> memref<4x8192xf32, #tpu.memory_space<hbm>>
      %dma_wait3A_79 = arith.constant 0 : i32
      %dma_wait3A_80 = arith.constant 0 : i32
      %dma_wait3A_81 = tpu.memref_slice %arg2[%dma_wait3A_79, %dma_wait3A_80] : memref<8192x8192xf32, #tpu.memory_space<hbm>> -> memref<4x8192xf32, #tpu.memory_space<hbm>>
      tpu.wait_dma2 semaphore(%arg8 : memref<!tpu.dma_semaphore, #tpu.memory_space<semaphore_mem>>) src(%dma_wait3A_81 : memref<4x8192xf32, #tpu.memory_space<hbm>>) dst(%arg4 : memref<4x8192xf32, #tpu.memory_space<vmem>>)
      %lt3A = arith.cmpi slt, %add3A_76, %select_n3A_49 : i32
      %ge3A = arith.cmpi sge, %add3A_76, %select_n3A_49 : i32
      %convert_element_type3A = arith.extui %lt3A : i1 to i32
      %cond3A = arith.constant 0 : i32
      %cond3A_82 = arith.cmpi ne, %convert_element_type3A, %cond3A : i32
      scf.if %cond3A_82 {
        %parallel_loop3A_114 = arith.constant 0 : i32
        %parallel_loop3A_115 = arith.constant 512 : i32
        %parallel_loop3A_116 = arith.constant 1 : i32
        scf.for %parallel_loop3A_117 = %parallel_loop3A_114 to %parallel_loop3A_115 step %parallel_loop3A_116  : i32 {
          %parallel_loop3A_118 = arith.constant 16 : i32
          %parallel_loop3A_119 = arith.muli %parallel_loop3A_117, %parallel_loop3A_118 : i32
          %parallel_loop3A_120 = arith.constant 0 : i32
          %parallel_loop3A_121 = arith.index_cast %parallel_loop3A_120 : i32 to index
          %parallel_loop3A_122 = arith.index_cast %parallel_loop3A_119 : i32 to index
          %parallel_loop3A_123 = tpu.vector_load %arg4[%parallel_loop3A_121, %parallel_loop3A_122] {strides = array<i32>} : memref<4x8192xf32, #tpu.memory_space<vmem>>, vector<1x16xf32>,
          %parallel_loop3A_124 = vector.shape_cast %parallel_loop3A_123 : vector<1x16xf32> to vector<16xf32>
          %parallel_loop3A_125 = arith.constant 1 : i32
          %parallel_loop3A_126 = arith.index_cast %parallel_loop3A_125 : i32 to index
          %parallel_loop3A_127 = arith.index_cast %parallel_loop3A_119 : i32 to index
          %parallel_loop3A_128 = tpu.vector_load %arg4[%parallel_loop3A_126, %parallel_loop3A_127] {strides = array<i32>} : memref<4x8192xf32, #tpu.memory_space<vmem>>, vector<1x16xf32>,
          %parallel_loop3A_129 = vector.shape_cast %parallel_loop3A_128 : vector<1x16xf32> to vector<16xf32>
          %parallel_loop3A_130 = arith.addf %parallel_loop3A_124, %parallel_loop3A_129 : vector<16xf32>
          %parallel_loop3A_131 = arith.constant 2 : i32
          %parallel_loop3A_132 = arith.index_cast %parallel_loop3A_131 : i32 to index
          %parallel_loop3A_133 = arith.index_cast %parallel_loop3A_119 : i32 to index
          %parallel_loop3A_134 = tpu.vector_load %arg4[%parallel_loop3A_132, %parallel_loop3A_133] {strides = array<i32>} : memref<4x8192xf32, #tpu.memory_space<vmem>>, vector<1x16xf32>,
          %parallel_loop3A_135 = vector.shape_cast %parallel_loop3A_134 : vector<1x16xf32> to vector<16xf32>
          %parallel_loop3A_136 = arith.constant 3 : i32
          %parallel_loop3A_137 = arith.index_cast %parallel_loop3A_136 : i32 to index
          %parallel_loop3A_138 = arith.index_cast %parallel_loop3A_119 : i32 to index
          %parallel_loop3A_139 = tpu.vector_load %arg4[%parallel_loop3A_137, %parallel_loop3A_138] {strides = array<i32>} : memref<4x8192xf32, #tpu.memory_space<vmem>>, vector<1x16xf32>,
          %parallel_loop3A_140 = vector.shape_cast %parallel_loop3A_139 : vector<1x16xf32> to vector<16xf32>
          %parallel_loop3A_141 = arith.addf %parallel_loop3A_135, %parallel_loop3A_140 : vector<16xf32>
          %parallel_loop3A_142 = arith.addf %parallel_loop3A_130, %parallel_loop3A_141 : vector<16xf32>
          %parallel_loop3A_143 = arith.index_cast %parallel_loop3A_119 : i32 to index
          %parallel_loop3A_144 = tpu.vector_load %arg6[%parallel_loop3A_143] {strides = array<i32>} : memref<8192xf32, #tpu.memory_space<vmem>>, vector<16xf32>,
          %parallel_loop3A_145 = vector.shape_cast %parallel_loop3A_144 : vector<16xf32> to vector<16xf32>
          %parallel_loop3A_146 = vector.shape_cast %parallel_loop3A_142 : vector<16xf32> to vector<16xf32>
          tpu.vector_store %arg6[%parallel_loop3A_143], %parallel_loop3A_146 {add = true, strides = array<i32>} : memref<8192xf32, #tpu.memory_space<vmem>>, vector<16xf32>,
        } {sc.loop_unroll_factor = 8 : i64, sc.parallel_access}
      } else {
      }
      %convert_element_type3A_83 = arith.extui %ge3A : i1 to i32
      %cond3A_84 = arith.constant 0 : i32
      %cond3A_85 = arith.cmpi ne, %convert_element_type3A_83, %cond3A_84 : i32
      scf.if %cond3A_85 {
        %parallel_loop3A_114 = arith.constant 0 : i32
        %parallel_loop3A_115 = arith.constant 512 : i32
        %parallel_loop3A_116 = arith.constant 1 : i32
        scf.for %parallel_loop3A_117 = %parallel_loop3A_114 to %parallel_loop3A_115 step %parallel_loop3A_116  : i32 {
          %parallel_loop3A_118 = arith.constant 16 : i32
          %parallel_loop3A_119 = arith.muli %parallel_loop3A_117, %parallel_loop3A_118 : i32
          %parallel_loop3A_120 = arith.constant 0 : i32
          %parallel_loop3A_121 = arith.index_cast %parallel_loop3A_120 : i32 to index
          %parallel_loop3A_122 = arith.index_cast %parallel_loop3A_119 : i32 to index
          %parallel_loop3A_123 = tpu.vector_load %arg4[%parallel_loop3A_121, %parallel_loop3A_122] {strides = array<i32>} : memref<4x8192xf32, #tpu.memory_space<vmem>>, vector<1x16xf32>,
          %parallel_loop3A_124 = vector.shape_cast %parallel_loop3A_123 : vector<1x16xf32> to vector<16xf32>
          %parallel_loop3A_125 = arith.constant 1 : i32
          %parallel_loop3A_126 = arith.index_cast %parallel_loop3A_125 : i32 to index
          %parallel_loop3A_127 = arith.index_cast %parallel_loop3A_119 : i32 to index
          %parallel_loop3A_128 = tpu.vector_load %arg4[%parallel_loop3A_126, %parallel_loop3A_127] {strides = array<i32>} : memref<4x8192xf32, #tpu.memory_space<vmem>>, vector<1x16xf32>,
          %parallel_loop3A_129 = vector.shape_cast %parallel_loop3A_128 : vector<1x16xf32> to vector<16xf32>
          %parallel_loop3A_130 = arith.addf %parallel_loop3A_124, %parallel_loop3A_129 : vector<16xf32>
          %parallel_loop3A_131 = arith.constant 2 : i32
          %parallel_loop3A_132 = arith.index_cast %parallel_loop3A_131 : i32 to index
          %parallel_loop3A_133 = arith.index_cast %parallel_loop3A_119 : i32 to index
          %parallel_loop3A_134 = tpu.vector_load %arg4[%parallel_loop3A_132, %parallel_loop3A_133] {strides = array<i32>} : memref<4x8192xf32, #tpu.memory_space<vmem>>, vector<1x16xf32>,
          %parallel_loop3A_135 = vector.shape_cast %parallel_loop3A_134 : vector<1x16xf32> to vector<16xf32>
          %parallel_loop3A_136 = arith.constant 3 : i32
          %parallel_loop3A_137 = arith.index_cast %parallel_loop3A_136 : i32 to index
          %parallel_loop3A_138 = arith.index_cast %parallel_loop3A_119 : i32 to index
          %parallel_loop3A_139 = tpu.vector_load %arg4[%parallel_loop3A_137, %parallel_loop3A_138] {strides = array<i32>} : memref<4x8192xf32, #tpu.memory_space<vmem>>, vector<1x16xf32>,
          %parallel_loop3A_140 = vector.shape_cast %parallel_loop3A_139 : vector<1x16xf32> to vector<16xf32>
          %parallel_loop3A_141 = arith.addf %parallel_loop3A_135, %parallel_loop3A_140 : vector<16xf32>
          %parallel_loop3A_142 = arith.addf %parallel_loop3A_130, %parallel_loop3A_141 : vector<16xf32>
          %parallel_loop3A_143 = arith.index_cast %parallel_loop3A_119 : i32 to index
          %parallel_loop3A_144 = tpu.vector_load %arg7[%parallel_loop3A_143] {strides = array<i32>} : memref<8192xf32, #tpu.memory_space<vmem>>, vector<16xf32>,
          %parallel_loop3A_145 = vector.shape_cast %parallel_loop3A_144 : vector<16xf32> to vector<16xf32>
          %parallel_loop3A_146 = vector.shape_cast %parallel_loop3A_142 : vector<16xf32> to vector<16xf32>
          tpu.vector_store %arg7[%parallel_loop3A_143], %parallel_loop3A_146 {add = true, strides = array<i32>} : memref<8192xf32, #tpu.memory_space<vmem>>, vector<16xf32>,
        } {sc.loop_unroll_factor = 8 : i64, sc.parallel_access}
      } else {
      }
      %lt3A_86 = arith.constant 14 : i32
      %lt3A_87 = arith.cmpi slt, %add3A_76, %lt3A_86 : i32
      %convert_element_type3A_88 = arith.extui %lt3A_87 : i1 to i32
      %cond3A_89 = arith.constant 0 : i32
      %cond3A_90 = arith.cmpi ne, %convert_element_type3A_88, %cond3A_89 : i32
      scf.if %cond3A_90 {
        %add3A_114 = arith.constant 2 : i32
        %add3A_115 = arith.addi %add3A_76, %add3A_114 : i32
        %mul3A_116 = arith.constant 4 : i32
        %mul3A_117 = arith.muli %add3A_115, %mul3A_116 : i32
        %add3A_118 = arith.addi %mul3A_2, %mul3A_117 : i32
        %dma_start3A_119 = arith.constant 0 : i32
        %dma_start3A_120 = tpu.memref_slice %arg2[%add3A_118, %dma_start3A_119] : memref<8192x8192xf32, #tpu.memory_space<hbm>> -> memref<4x8192xf32, #tpu.memory_space<hbm>>
        %dma_start3A_121 = arith.constant 0 : i32
        %dma_start3A_122 = tpu.memref_slice %arg2[%add3A_118, %dma_start3A_121] : memref<8192x8192xf32, #tpu.memory_space<hbm>> -> memref<4x8192xf32, #tpu.memory_space<hbm>>
        tpu.enqueue_dma source(%dma_start3A_122 : memref<4x8192xf32, #tpu.memory_space<hbm>>) target(%arg4 : memref<4x8192xf32, #tpu.memory_space<vmem>>) target_semaphore(%arg8 : memref<!tpu.dma_semaphore, #tpu.memory_space<semaphore_mem>>)
      } else {
      }
      %mul3A_91 = arith.constant 2 : i32
      %mul3A_92 = arith.muli %add3A_72, %mul3A_91 : i32
      %add3A_93 = arith.constant 1 : i32
      %add3A_94 = arith.addi %mul3A_92, %add3A_93 : i32
      %dma_wait3A_95 = arith.constant 0 : i32
      %dma_wait3A_96 = arith.constant 0 : i32
      %dma_wait3A_97 = tpu.memref_slice %arg2[%dma_wait3A_95, %dma_wait3A_96] : memref<8192x8192xf32, #tpu.memory_space<hbm>> -> memref<4x8192xf32, #tpu.memory_space<hbm>>
      %dma_wait3A_98 = arith.constant 0 : i32
      %dma_wait3A_99 = arith.constant 0 : i32
      %dma_wait3A_100 = tpu.memref_slice %arg2[%dma_wait3A_98, %dma_wait3A_99] : memref<8192x8192xf32, #tpu.memory_space<hbm>> -> memref<4x8192xf32, #tpu.memory_space<hbm>>
      tpu.wait_dma2 semaphore(%arg9 : memref<!tpu.dma_semaphore, #tpu.memory_space<semaphore_mem>>) src(%dma_wait3A_100 : memref<4x8192xf32, #tpu.memory_space<hbm>>) dst(%arg5 : memref<4x8192xf32, #tpu.memory_space<vmem>>)
      %lt3A_101 = arith.cmpi slt, %add3A_94, %select_n3A_49 : i32
      %ge3A_102 = arith.cmpi sge, %add3A_94, %select_n3A_49 : i32
      %convert_element_type3A_103 = arith.extui %lt3A_101 : i1 to i32
      %cond3A_104 = arith.constant 0 : i32
      %cond3A_105 = arith.cmpi ne, %convert_element_type3A_103, %cond3A_104 : i32
      scf.if %cond3A_105 {
        %parallel_loop3A_114 = arith.constant 0 : i32
        %parallel_loop3A_115 = arith.constant 512 : i32
        %parallel_loop3A_116 = arith.constant 1 : i32
        scf.for %parallel_loop3A_117 = %parallel_loop3A_114 to %parallel_loop3A_115 step %parallel_loop3A_116  : i32 {
          %parallel_loop3A_118 = arith.constant 16 : i32
          %parallel_loop3A_119 = arith.muli %parallel_loop3A_117, %parallel_loop3A_118 : i32
          %parallel_loop3A_120 = arith.constant 0 : i32
          %parallel_loop3A_121 = arith.index_cast %parallel_loop3A_120 : i32 to index
          %parallel_loop3A_122 = arith.index_cast %parallel_loop3A_119 : i32 to index
          %parallel_loop3A_123 = tpu.vector_load %arg5[%parallel_loop3A_121, %parallel_loop3A_122] {strides = array<i32>} : memref<4x8192xf32, #tpu.memory_space<vmem>>, vector<1x16xf32>,
          %parallel_loop3A_124 = vector.shape_cast %parallel_loop3A_123 : vector<1x16xf32> to vector<16xf32>
          %parallel_loop3A_125 = arith.constant 1 : i32
          %parallel_loop3A_126 = arith.index_cast %parallel_loop3A_125 : i32 to index
          %parallel_loop3A_127 = arith.index_cast %parallel_loop3A_119 : i32 to index
          %parallel_loop3A_128 = tpu.vector_load %arg5[%parallel_loop3A_126, %parallel_loop3A_127] {strides = array<i32>} : memref<4x8192xf32, #tpu.memory_space<vmem>>, vector<1x16xf32>,
          %parallel_loop3A_129 = vector.shape_cast %parallel_loop3A_128 : vector<1x16xf32> to vector<16xf32>
          %parallel_loop3A_130 = arith.addf %parallel_loop3A_124, %parallel_loop3A_129 : vector<16xf32>
          %parallel_loop3A_131 = arith.constant 2 : i32
          %parallel_loop3A_132 = arith.index_cast %parallel_loop3A_131 : i32 to index
          %parallel_loop3A_133 = arith.index_cast %parallel_loop3A_119 : i32 to index
          %parallel_loop3A_134 = tpu.vector_load %arg5[%parallel_loop3A_132, %parallel_loop3A_133] {strides = array<i32>} : memref<4x8192xf32, #tpu.memory_space<vmem>>, vector<1x16xf32>,
          %parallel_loop3A_135 = vector.shape_cast %parallel_loop3A_134 : vector<1x16xf32> to vector<16xf32>
          %parallel_loop3A_136 = arith.constant 3 : i32
          %parallel_loop3A_137 = arith.index_cast %parallel_loop3A_136 : i32 to index
          %parallel_loop3A_138 = arith.index_cast %parallel_loop3A_119 : i32 to index
          %parallel_loop3A_139 = tpu.vector_load %arg5[%parallel_loop3A_137, %parallel_loop3A_138] {strides = array<i32>} : memref<4x8192xf32, #tpu.memory_space<vmem>>, vector<1x16xf32>,
          %parallel_loop3A_140 = vector.shape_cast %parallel_loop3A_139 : vector<1x16xf32> to vector<16xf32>
          %parallel_loop3A_141 = arith.addf %parallel_loop3A_135, %parallel_loop3A_140 : vector<16xf32>
          %parallel_loop3A_142 = arith.addf %parallel_loop3A_130, %parallel_loop3A_141 : vector<16xf32>
          %parallel_loop3A_143 = arith.index_cast %parallel_loop3A_119 : i32 to index
          %parallel_loop3A_144 = tpu.vector_load %arg6[%parallel_loop3A_143] {strides = array<i32>} : memref<8192xf32, #tpu.memory_space<vmem>>, vector<16xf32>,
          %parallel_loop3A_145 = vector.shape_cast %parallel_loop3A_144 : vector<16xf32> to vector<16xf32>
          %parallel_loop3A_146 = vector.shape_cast %parallel_loop3A_142 : vector<16xf32> to vector<16xf32>
          tpu.vector_store %arg6[%parallel_loop3A_143], %parallel_loop3A_146 {add = true, strides = array<i32>} : memref<8192xf32, #tpu.memory_space<vmem>>, vector<16xf32>,
        } {sc.loop_unroll_factor = 8 : i64, sc.parallel_access}
      } else {
      }
      %convert_element_type3A_106 = arith.extui %ge3A_102 : i1 to i32
      %cond3A_107 = arith.constant 0 : i32
      %cond3A_108 = arith.cmpi ne, %convert_element_type3A_106, %cond3A_107 : i32
      scf.if %cond3A_108 {
        %parallel_loop3A_114 = arith.constant 0 : i32
        %parallel_loop3A_115 = arith.constant 512 : i32
        %parallel_loop3A_116 = arith.constant 1 : i32
        scf.for %parallel_loop3A_117 = %parallel_loop3A_114 to %parallel_loop3A_115 step %parallel_loop3A_116  : i32 {
          %parallel_loop3A_118 = arith.constant 16 : i32
          %parallel_loop3A_119 = arith.muli %parallel_loop3A_117, %parallel_loop3A_118 : i32
          %parallel_loop3A_120 = arith.constant 0 : i32
          %parallel_loop3A_121 = arith.index_cast %parallel_loop3A_120 : i32 to index
          %parallel_loop3A_122 = arith.index_cast %parallel_loop3A_119 : i32 to index
          %parallel_loop3A_123 = tpu.vector_load %arg5[%parallel_loop3A_121, %parallel_loop3A_122] {strides = array<i32>} : memref<4x8192xf32, #tpu.memory_space<vmem>>, vector<1x16xf32>,
          %parallel_loop3A_124 = vector.shape_cast %parallel_loop3A_123 : vector<1x16xf32> to vector<16xf32>
          %parallel_loop3A_125 = arith.constant 1 : i32
          %parallel_loop3A_126 = arith.index_cast %parallel_loop3A_125 : i32 to index
          %parallel_loop3A_127 = arith.index_cast %parallel_loop3A_119 : i32 to index
          %parallel_loop3A_128 = tpu.vector_load %arg5[%parallel_loop3A_126, %parallel_loop3A_127] {strides = array<i32>} : memref<4x8192xf32, #tpu.memory_space<vmem>>, vector<1x16xf32>,
          %parallel_loop3A_129 = vector.shape_cast %parallel_loop3A_128 : vector<1x16xf32> to vector<16xf32>
          %parallel_loop3A_130 = arith.addf %parallel_loop3A_124, %parallel_loop3A_129 : vector<16xf32>
          %parallel_loop3A_131 = arith.constant 2 : i32
          %parallel_loop3A_132 = arith.index_cast %parallel_loop3A_131 : i32 to index
          %parallel_loop3A_133 = arith.index_cast %parallel_loop3A_119 : i32 to index
          %parallel_loop3A_134 = tpu.vector_load %arg5[%parallel_loop3A_132, %parallel_loop3A_133] {strides = array<i32>} : memref<4x8192xf32, #tpu.memory_space<vmem>>, vector<1x16xf32>,
          %parallel_loop3A_135 = vector.shape_cast %parallel_loop3A_134 : vector<1x16xf32> to vector<16xf32>
          %parallel_loop3A_136 = arith.constant 3 : i32
          %parallel_loop3A_137 = arith.index_cast %parallel_loop3A_136 : i32 to index
          %parallel_loop3A_138 = arith.index_cast %parallel_loop3A_119 : i32 to index
          %parallel_loop3A_139 = tpu.vector_load %arg5[%parallel_loop3A_137, %parallel_loop3A_138] {strides = array<i32>} : memref<4x8192xf32, #tpu.memory_space<vmem>>, vector<1x16xf32>,
          %parallel_loop3A_140 = vector.shape_cast %parallel_loop3A_139 : vector<1x16xf32> to vector<16xf32>
          %parallel_loop3A_141 = arith.addf %parallel_loop3A_135, %parallel_loop3A_140 : vector<16xf32>
          %parallel_loop3A_142 = arith.addf %parallel_loop3A_130, %parallel_loop3A_141 : vector<16xf32>
          %parallel_loop3A_143 = arith.index_cast %parallel_loop3A_119 : i32 to index
          %parallel_loop3A_144 = tpu.vector_load %arg7[%parallel_loop3A_143] {strides = array<i32>} : memref<8192xf32, #tpu.memory_space<vmem>>, vector<16xf32>,
          %parallel_loop3A_145 = vector.shape_cast %parallel_loop3A_144 : vector<16xf32> to vector<16xf32>
          %parallel_loop3A_146 = vector.shape_cast %parallel_loop3A_142 : vector<16xf32> to vector<16xf32>
          tpu.vector_store %arg7[%parallel_loop3A_143], %parallel_loop3A_146 {add = true, strides = array<i32>} : memref<8192xf32, #tpu.memory_space<vmem>>, vector<16xf32>,
        } {sc.loop_unroll_factor = 8 : i64, sc.parallel_access}
      } else {
      }
      %lt3A_109 = arith.constant 14 : i32
      %lt3A_110 = arith.cmpi slt, %add3A_94, %lt3A_109 : i32
      %convert_element_type3A_111 = arith.extui %lt3A_110 : i1 to i32
      %cond3A_112 = arith.constant 0 : i32
      %cond3A_113 = arith.cmpi ne, %convert_element_type3A_111, %cond3A_112 : i32
      scf.if %cond3A_113 {
        %add3A_114 = arith.constant 2 : i32
        %add3A_115 = arith.addi %add3A_94, %add3A_114 : i32
        %mul3A_116 = arith.constant 4 : i32
        %mul3A_117 = arith.muli %add3A_115, %mul3A_116 : i32
        %add3A_118 = arith.addi %mul3A_2, %mul3A_117 : i32
        %dma_start3A_119 = arith.constant 0 : i32
        %dma_start3A_120 = tpu.memref_slice %arg2[%add3A_118, %dma_start3A_119] : memref<8192x8192xf32, #tpu.memory_space<hbm>> -> memref<4x8192xf32, #tpu.memory_space<hbm>>
        %dma_start3A_121 = arith.constant 0 : i32
        %dma_start3A_122 = tpu.memref_slice %arg2[%add3A_118, %dma_start3A_121] : memref<8192x8192xf32, #tpu.memory_space<hbm>> -> memref<4x8192xf32, #tpu.memory_space<hbm>>
        tpu.enqueue_dma source(%dma_start3A_122 : memref<4x8192xf32, #tpu.memory_space<hbm>>) target(%arg5 : memref<4x8192xf32, #tpu.memory_space<vmem>>) target_semaphore(%arg9 : memref<!tpu.dma_semaphore, #tpu.memory_space<semaphore_mem>>)
      } else {
      }
    }
    %scan3A_66 = arith.constant 8 : i32
    %run_scoped3A = arith.constant 0 : i32
    "tpu.region"() ({
      %run_scoped3A_68 = tpu.sem_alloc : memref<!tpu.dma_semaphore, #tpu.memory_space<semaphore_mem>>
      %dma_start3A_69 = arith.constant 0 : i32
      %dma_start3A_70 = tpu.memref_slice %arg3[%add3A, %run_scoped3A, %dma_start3A_69] : memref<32x2x8192xf32, #tpu.memory_space<hbm>> -> memref<1x1x8192xf32, #tpu.memory_space<hbm>>
      %dma_start3A_71 = tpu.memref_squeeze %dma_start3A_70 : memref<1x1x8192xf32, #tpu.memory_space<hbm>> -> memref<8192xf32, #tpu.memory_space<hbm>>
      %dma_start3A_72 = arith.constant 0 : i32
      %dma_start3A_73 = tpu.memref_slice %arg3[%add3A, %run_scoped3A, %dma_start3A_72] : memref<32x2x8192xf32, #tpu.memory_space<hbm>> -> memref<1x1x8192xf32, #tpu.memory_space<hbm>>
      %dma_start3A_74 = tpu.memref_squeeze %dma_start3A_73 : memref<1x1x8192xf32, #tpu.memory_space<hbm>> -> memref<8192xf32, #tpu.memory_space<hbm>>
      tpu.enqueue_dma source(%arg6 : memref<8192xf32, #tpu.memory_space<vmem>>) target(%dma_start3A_74 : memref<8192xf32, #tpu.memory_space<hbm>>) target_semaphore(%run_scoped3A_68 : memref<!tpu.dma_semaphore, #tpu.memory_space<semaphore_mem>>)
      %dma_wait3A = arith.constant 0 : i32
      %dma_wait3A_75 = tpu.memref_slice %arg3[%add3A, %run_scoped3A, %dma_wait3A] : memref<32x2x8192xf32, #tpu.memory_space<hbm>> -> memref<1x1x8192xf32, #tpu.memory_space<hbm>>
      %dma_wait3A_76 = tpu.memref_squeeze %dma_wait3A_75 : memref<1x1x8192xf32, #tpu.memory_space<hbm>> -> memref<8192xf32, #tpu.memory_space<hbm>>
      %dma_wait3A_77 = arith.constant 0 : i32
      %dma_wait3A_78 = tpu.memref_slice %arg3[%add3A, %run_scoped3A, %dma_wait3A_77] : memref<32x2x8192xf32, #tpu.memory_space<hbm>> -> memref<1x1x8192xf32, #tpu.memory_space<hbm>>
      %dma_wait3A_79 = tpu.memref_squeeze %dma_wait3A_78 : memref<1x1x8192xf32, #tpu.memory_space<hbm>> -> memref<8192xf32, #tpu.memory_space<hbm>>
      tpu.wait_dma2 semaphore(%run_scoped3A_68 : memref<!tpu.dma_semaphore, #tpu.memory_space<semaphore_mem>>) src(%arg6 : memref<8192xf32, #tpu.memory_space<vmem>>) dst(%dma_wait3A_79 : memref<8192xf32, #tpu.memory_space<hbm>>)
      tpu.yield
    }) : () -> ()
    %run_scoped3A_67 = arith.constant 1 : i32
    "tpu.region"() ({
      %run_scoped3A_68 = tpu.sem_alloc : memref<!tpu.dma_semaphore, #tpu.memory_space<semaphore_mem>>
      %dma_start3A_69 = arith.constant 0 : i32
      %dma_start3A_70 = tpu.memref_slice %arg3[%add3A, %run_scoped3A_67, %dma_start3A_69] : memref<32x2x8192xf32, #tpu.memory_space<hbm>> -> memref<1x1x8192xf32, #tpu.memory_space<hbm>>
      %dma_start3A_71 = tpu.memref_squeeze %dma_start3A_70 : memref<1x1x8192xf32, #tpu.memory_space<hbm>> -> memref<8192xf32, #tpu.memory_space<hbm>>
      %dma_start3A_72 = arith.constant 0 : i32
      %dma_start3A_73 = tpu.memref_slice %arg3[%add3A, %run_scoped3A_67, %dma_start3A_72] : memref<32x2x8192xf32, #tpu.memory_space<hbm>> -> memref<1x1x8192xf32, #tpu.memory_space<hbm>>
      %dma_start3A_74 = tpu.memref_squeeze %dma_start3A_73 : memref<1x1x8192xf32, #tpu.memory_space<hbm>> -> memref<8192xf32, #tpu.memory_space<hbm>>
      tpu.enqueue_dma source(%arg7 : memref<8192xf32, #tpu.memory_space<vmem>>) target(%dma_start3A_74 : memref<8192xf32, #tpu.memory_space<hbm>>) target_semaphore(%run_scoped3A_68 : memref<!tpu.dma_semaphore, #tpu.memory_space<semaphore_mem>>)
      %dma_wait3A = arith.constant 0 : i32
      %dma_wait3A_75 = tpu.memref_slice %arg3[%add3A, %run_scoped3A_67, %dma_wait3A] : memref<32x2x8192xf32, #tpu.memory_space<hbm>> -> memref<1x1x8192xf32, #tpu.memory_space<hbm>>
      %dma_wait3A_76 = tpu.memref_squeeze %dma_wait3A_75 : memref<1x1x8192xf32, #tpu.memory_space<hbm>> -> memref<8192xf32, #tpu.memory_space<hbm>>
      %dma_wait3A_77 = arith.constant 0 : i32
      %dma_wait3A_78 = tpu.memref_slice %arg3[%add3A, %run_scoped3A_67, %dma_wait3A_77] : memref<32x2x8192xf32, #tpu.memory_space<hbm>> -> memref<1x1x8192xf32, #tpu.memory_space<hbm>>
      %dma_wait3A_79 = tpu.memref_squeeze %dma_wait3A_78 : memref<1x1x8192xf32, #tpu.memory_space<hbm>> -> memref<8192xf32, #tpu.memory_space<hbm>>
      tpu.wait_dma2 semaphore(%run_scoped3A_68 : memref<!tpu.dma_semaphore, #tpu.memory_space<semaphore_mem>>) src(%arg7 : memref<8192xf32, #tpu.memory_space<vmem>>) dst(%dma_wait3A_79 : memref<8192xf32, #tpu.memory_space<hbm>>)
      tpu.yield
    }) : () -> ()
    return
  }
}

module attributes {stable_mosaic.version = 14 : i64} {
  func.func @_tc_rowsum_body(%arg0: i32, %arg1: memref<256x8192xf32, #tpu.memory_space<vmem>>, %arg2: memref<1x1x8192xf32, #tpu.memory_space<vmem>>) attributes {dimension_semantics = [#tpu.dimension_semantics<arbitrary>], iteration_bounds = array<i64: 24>, scalar_prefetch = 0 : i64, scratch_operands = 0 : i64, tpu.core_type = #tpu.core_type<tc>, window_params = [{transform_indices = @transform_0, window_bounds = array<i64: 256, 8192>}, {transform_indices = @transform_1, window_bounds = array<i64: 1, 1, 8192>}]} {
    %get3A = arith.constant 0 : index
    %get3A_0 = arith.constant 0 : index
    %get3A_1 = vector.load %arg1[%get3A, %get3A_0] : memref<256x8192xf32, #tpu.memory_space<vmem>>, vector<256x8192xf32>
    %reduce_sum3A = arith.constant dense<0.000000e+00> : vector<8192xf32>
    %reduce_sum3A_2 = vector.multi_reduction <add>, %get3A_1, %reduce_sum3A [0] : vector<256x8192xf32> to vector<8192xf32>
    %broadcast_in_dim3A = vector.shape_cast %reduce_sum3A_2 : vector<8192xf32> to vector<1x1x8192xf32>
    %swap3A = arith.constant 0 : index
    %swap3A_3 = arith.constant 0 : index
    %swap3A_4 = arith.constant 0 : index
    %swap3A_5 = vector.load %arg2[%swap3A, %swap3A_3, %swap3A_4] : memref<1x1x8192xf32, #tpu.memory_space<vmem>>, vector<1x1x8192xf32>
    tpu.vector_store %arg2[%swap3A, %swap3A_3, %swap3A_4], %broadcast_in_dim3A {strides = array<i32>} : memref<1x1x8192xf32, #tpu.memory_space<vmem>>, vector<1x1x8192xf32>,
    return
  }
  func.func @transform_0(%arg0: i32) -> (i32, i32) {
    %add3A = arith.constant 8 : i32
    %add3A_0 = arith.addi %add3A, %arg0 : i32
    %c0_i32 = arith.constant 0 : i32
    %c0_i32_1 = arith.constant 0 : i32
    return %add3A_0, %c0_i32 : i32, i32
  }
  func.func @transform_1(%arg0: i32) -> (i32, i32, i32) {
    %c0_i32 = arith.constant 0 : i32
    %c0_i32_0 = arith.constant 0 : i32
    %c0_i32_1 = arith.constant 0 : i32
    return %arg0, %c0_i32, %c0_i32_0 : i32, i32, i32
  }
}

module attributes {stable_mosaic.version = 14 : i64} {
  func.func @_fused_body(%arg0: memref<2x16x256x128xf32, #tpu.memory_space<vmem>>, %arg1: memref<32x2x8192xf32, #tpu.memory_space<vmem>>, %arg2: memref<24x8192xf32, #tpu.memory_space<vmem>>, %arg3: memref<128x128xf32, #tpu.memory_space<vmem>>, %arg4: memref<128xf32, #tpu.memory_space<vmem>>, %arg5: memref<3x128x128xf32, #tpu.memory_space<vmem>>, %arg6: memref<128xf32, #tpu.memory_space<vmem>>, %arg7: memref<128xf32, #tpu.memory_space<vmem>>, %arg8: memref<128xf32, #tpu.memory_space<vmem>>, %arg9: memref<128xf32, #tpu.memory_space<vmem>>, %arg10: memref<128xf32, #tpu.memory_space<vmem>>, %arg11: memref<2x16x256x128xf32, #tpu.memory_space<vmem>>) attributes {dimension_semantics = [], scalar_prefetch = 0 : i64, scratch_operands = 0 : i64, tpu.core_type = #tpu.core_type<tc>} {
    %get3A = arith.constant 0 : index
    %get3A_0 = arith.constant 0 : index
    %get3A_1 = arith.constant 0 : index
    %get3A_2 = arith.constant 0 : index
    %get3A_3 = vector.load %arg0[%get3A, %get3A_0, %get3A_1, %get3A_2] : memref<2x16x256x128xf32, #tpu.memory_space<vmem>>, vector<2x16x256x128xf32>
    %reshape3A = vector.shape_cast %get3A_3 : vector<2x16x256x128xf32> to vector<8192x128xf32>
    %get3A_4 = arith.constant 0 : index
    %get3A_5 = arith.constant 0 : index
    %get3A_6 = arith.constant 0 : index
    %get3A_7 = vector.load %arg1[%get3A_4, %get3A_5, %get3A_6] : memref<32x2x8192xf32, #tpu.memory_space<vmem>>, vector<32x2x8192xf32>
    %reshape3A_8 = vector.shape_cast %get3A_7 : vector<32x2x8192xf32> to vector<64x8192xf32>
    %iota3A = tpu.iota {dimensions = array<i32: 0>} : vector<8x64xi32>
    %iota3A_9 = tpu.iota {dimensions = array<i32: 1>} : vector<8x64xi32>
    %jit3A = arith.constant 2 : i32
    %div3A = vector.broadcast %jit3A : i32 to vector<8x64xi32>
    %div3A_10 = arith.divsi %iota3A_9, %div3A : vector<8x64xi32>
    %sign3A = arith.constant 0 : i32
    %sign3A_11 = vector.broadcast %sign3A : i32 to vector<8x64xi32>
    %sign3A_12 = arith.cmpi sgt, %iota3A_9, %sign3A_11 : vector<8x64xi32>
    %sign3A_13 = arith.extui %sign3A_12 : vector<8x64xi1> to vector<8x64xi32>
    %sign3A_14 = arith.constant 0 : i32
    %sign3A_15 = vector.broadcast %sign3A_14 : i32 to vector<8x64xi32>
    %sign3A_16 = arith.cmpi slt, %iota3A_9, %sign3A_15 : vector<8x64xi32>
    %sign3A_17 = arith.extui %sign3A_16 : vector<8x64xi1> to vector<8x64xi32>
    %sign3A_18 = arith.subi %sign3A_13, %sign3A_17 : vector<8x64xi32>
    %sign3A_19 = arith.constant 0 : i32
    %sign3A_20 = arith.cmpi sgt, %jit3A, %sign3A_19 : i32
    %sign3A_21 = arith.extui %sign3A_20 : i1 to i32
    %sign3A_22 = arith.constant 0 : i32
    %sign3A_23 = arith.cmpi slt, %jit3A, %sign3A_22 : i32
    %sign3A_24 = arith.extui %sign3A_23 : i1 to i32
    %sign3A_25 = arith.subi %sign3A_21, %sign3A_24 : i32
    %ne3A = vector.broadcast %sign3A_25 : i32 to vector<8x64xi32>
    %ne3A_26 = arith.cmpi ne, %sign3A_18, %ne3A : vector<8x64xi32>
    %rem3A = vector.broadcast %jit3A : i32 to vector<8x64xi32>
    %rem3A_27 = arith.remsi %iota3A_9, %rem3A : vector<8x64xi32>
    %ne3A_28 = arith.constant 0 : i32
    %ne3A_29 = vector.broadcast %ne3A_28 : i32 to vector<8x64xi32>
    %ne3A_30 = arith.cmpi ne, %rem3A_27, %ne3A_29 : vector<8x64xi32>
    %and3A = arith.andi %ne3A_26, %ne3A_30 : vector<8x64xi1>
    %sub3A = arith.constant 1 : i32
    %sub3A_31 = vector.broadcast %sub3A : i32 to vector<8x64xi32>
    %sub3A_32 = arith.subi %div3A_10, %sub3A_31 : vector<8x64xi32>
    %select_n3A = arith.select %and3A, %sub3A_32, %div3A_10 : vector<8x64xi1>, vector<8x64xi32>
    %mul3A = arith.constant 64 : i32
    %mul3A_33 = vector.broadcast %mul3A : i32 to vector<8x64xi32>
    %mul3A_34 = arith.muli %select_n3A, %mul3A_33 : vector<8x64xi32>
    %jit3A_35 = arith.constant 256 : i32
    %div3A_36 = vector.broadcast %jit3A_35 : i32 to vector<8x64xi32>
    %div3A_37 = arith.divsi %mul3A_34, %div3A_36 : vector<8x64xi32>
    %sign3A_38 = arith.constant 0 : i32
    %sign3A_39 = vector.broadcast %sign3A_38 : i32 to vector<8x64xi32>
    %sign3A_40 = arith.cmpi sgt, %mul3A_34, %sign3A_39 : vector<8x64xi32>
    %sign3A_41 = arith.extui %sign3A_40 : vector<8x64xi1> to vector<8x64xi32>
    %sign3A_42 = arith.constant 0 : i32
    %sign3A_43 = vector.broadcast %sign3A_42 : i32 to vector<8x64xi32>
    %sign3A_44 = arith.cmpi slt, %mul3A_34, %sign3A_43 : vector<8x64xi32>
    %sign3A_45 = arith.extui %sign3A_44 : vector<8x64xi1> to vector<8x64xi32>
    %sign3A_46 = arith.subi %sign3A_41, %sign3A_45 : vector<8x64xi32>
    %sign3A_47 = arith.constant 0 : i32
    %sign3A_48 = arith.cmpi sgt, %jit3A_35, %sign3A_47 : i32
    %sign3A_49 = arith.extui %sign3A_48 : i1 to i32
    %sign3A_50 = arith.constant 0 : i32
    %sign3A_51 = arith.cmpi slt, %jit3A_35, %sign3A_50 : i32
    %sign3A_52 = arith.extui %sign3A_51 : i1 to i32
    %sign3A_53 = arith.subi %sign3A_49, %sign3A_52 : i32
    %ne3A_54 = vector.broadcast %sign3A_53 : i32 to vector<8x64xi32>
    %ne3A_55 = arith.cmpi ne, %sign3A_46, %ne3A_54 : vector<8x64xi32>
    %rem3A_56 = vector.broadcast %jit3A_35 : i32 to vector<8x64xi32>
    %rem3A_57 = arith.remsi %mul3A_34, %rem3A_56 : vector<8x64xi32>
    %ne3A_58 = arith.constant 0 : i32
    %ne3A_59 = vector.broadcast %ne3A_58 : i32 to vector<8x64xi32>
    %ne3A_60 = arith.cmpi ne, %rem3A_57, %ne3A_59 : vector<8x64xi32>
    %and3A_61 = arith.andi %ne3A_55, %ne3A_60 : vector<8x64xi1>
    %sub3A_62 = arith.constant 1 : i32
    %sub3A_63 = vector.broadcast %sub3A_62 : i32 to vector<8x64xi32>
    %sub3A_64 = arith.subi %div3A_37, %sub3A_63 : vector<8x64xi32>
    %select_n3A_65 = arith.select %and3A_61, %sub3A_64, %div3A_37 : vector<8x64xi1>, vector<8x64xi32>
    %jit3A_66 = arith.constant 2 : i32
    %eq3A = arith.constant 0 : i32
    %eq3A_67 = arith.cmpi eq, %jit3A_66, %eq3A : i32
    %jit3A_68 = arith.constant 1 : i32
    %select_n3A_69 = arith.select %eq3A_67, %jit3A_68, %jit3A_66 : i32
    %rem3A_70 = vector.broadcast %select_n3A_69 : i32 to vector<8x64xi32>
    %rem3A_71 = arith.remsi %iota3A_9, %rem3A_70 : vector<8x64xi32>
    %ne3A_72 = arith.constant 0 : i32
    %ne3A_73 = vector.broadcast %ne3A_72 : i32 to vector<8x64xi32>
    %ne3A_74 = arith.cmpi ne, %rem3A_71, %ne3A_73 : vector<8x64xi32>
    %lt3A = arith.constant 0 : i32
    %lt3A_75 = vector.broadcast %lt3A : i32 to vector<8x64xi32>
    %lt3A_76 = arith.cmpi slt, %rem3A_71, %lt3A_75 : vector<8x64xi32>
    %lt3A_77 = arith.constant 0 : i32
    %lt3A_78 = arith.cmpi slt, %select_n3A_69, %lt3A_77 : i32
    %ne3A_79 = vector.broadcast %lt3A_78 : i1 to vector<8x64xi1>
    %ne3A_80 = vector.broadcast %ne3A_79 : vector<8x64xi1> to vector<8x64xi1>
    %ne3A_81 = arith.xori %lt3A_76, %ne3A_80 : vector<8x64xi1>
    %and3A_82 = arith.andi %ne3A_81, %ne3A_74 : vector<8x64xi1>
    %add3A = vector.broadcast %select_n3A_69 : i32 to vector<8x64xi32>
    %add3A_83 = arith.addi %rem3A_71, %add3A : vector<8x64xi32>
    %select_n3A_84 = arith.select %and3A_82, %add3A_83, %rem3A_71 : vector<8x64xi1>, vector<8x64xi32>
    %add3A_85 = arith.addi %select_n3A_65, %select_n3A_84 : vector<8x64xi32>
    %eq3A_86 = arith.cmpi eq, %iota3A, %add3A_85 : vector<8x64xi32>
    %convert_element_type3A = arith.extui %eq3A_86 : vector<8x64xi1> to vector<8x64xi32>
    %convert_element_type3A_87 = arith.sitofp %convert_element_type3A : vector<8x64xi32> to vector<8x64xf32>
    %dot_general3A = arith.constant dense<0.000000e+00> : vector<8x8192xf32>
    %dot_general3A_88 = tpu.matmul %convert_element_type3A_87, %reshape3A_8, %dot_general3A {dimension_numbers = #tpu.dot_dimension_numbers<[1], [0], [0], [1], [0, 0, 1, 1], [], []>, precision = #tpu.contract_precision<fp32>, transpose_lhs_hint = false} : vector<8x64xf32>, vector<64x8192xf32>, vector<8x8192xf32> -> vector<8x8192xf32>
    %get3A_89 = arith.constant 0 : index
    %get3A_90 = arith.constant 0 : index
    %get3A_91 = vector.load %arg2[%get3A_89, %get3A_90] : memref<24x8192xf32, #tpu.memory_space<vmem>>, vector<24x8192xf32>
    %concatenate3A = tpu.concatenate %dot_general3A_88, %get3A_91 in 0 : vector<8x8192xf32>, vector<24x8192xf32> -> vector<32x8192xf32>
    %convert_element_type3A_92 = arith.truncf %reshape3A : vector<8192x128xf32> to vector<8192x128xbf16>
    %convert_element_type3A_93 = arith.extf %convert_element_type3A_92 : vector<8192x128xbf16> to vector<8192x128xf32>
    %get3A_94 = arith.constant 0 : index
    %get3A_95 = arith.constant 0 : index
    %get3A_96 = vector.load %arg3[%get3A_94, %get3A_95] : memref<128x128xf32, #tpu.memory_space<vmem>>, vector<128x128xf32>
    %convert_element_type3A_97 = arith.truncf %get3A_96 : vector<128x128xf32> to vector<128x128xbf16>
    %convert_element_type3A_98 = arith.extf %convert_element_type3A_97 : vector<128x128xbf16> to vector<128x128xf32>
    %dot_general3A_99 = arith.constant dense<0.000000e+00> : vector<8192x128xf32>
    %dot_general3A_100 = tpu.matmul %convert_element_type3A_93, %convert_element_type3A_98, %dot_general3A_99 {dimension_numbers = #tpu.dot_dimension_numbers<[1], [0], [0], [1], [0, 0, 1, 1], [], []>, precision = #tpu.contract_precision<fp32>, transpose_lhs_hint = false} : vector<8192x128xf32>, vector<128x128xf32>, vector<8192x128xf32> -> vector<8192x128xf32>
    %convert_element_type3A_101 = arith.truncf %dot_general3A_100 : vector<8192x128xf32> to vector<8192x128xbf16>
    %convert_element_type3A_102 = arith.extf %convert_element_type3A_101 : vector<8192x128xbf16> to vector<8192x128xf32>
    %dot_general3A_103 = arith.constant dense<0.000000e+00> : vector<32x128xf32>
    %dot_general3A_104 = tpu.matmul %concatenate3A, %convert_element_type3A_102, %dot_general3A_103 {dimension_numbers = #tpu.dot_dimension_numbers<[1], [0], [0], [1], [0, 0, 1, 1], [], []>, precision = #tpu.contract_precision<fp32>, transpose_lhs_hint = false} : vector<32x8192xf32>, vector<8192x128xf32>, vector<32x128xf32> -> vector<32x128xf32>
    %mul3A_105 = arith.constant 3.906250e-03 : f32
    %mul3A_106 = vector.broadcast %mul3A_105 : f32 to vector<32x128xf32>
    %mul3A_107 = arith.mulf %dot_general3A_104, %mul3A_106 : vector<32x128xf32>
    %get3A_108 = arith.constant 0 : index
    %get3A_109 = vector.load %arg4[%get3A_108] : memref<128xf32, #tpu.memory_space<vmem>>, vector<128xf32>
    %broadcast_in_dim3A = vector.shape_cast %get3A_109 : vector<128xf32> to vector<1x128xf32>
    %add3A_110 = vector.broadcast %broadcast_in_dim3A : vector<1x128xf32> to vector<32x128xf32>
    %add3A_111 = arith.addf %mul3A_107, %add3A_110 : vector<32x128xf32>
    %iota3A_112 = tpu.iota {dimensions = array<i32: 0>} : vector<32x32xi32>
    %iota3A_113 = tpu.iota {dimensions = array<i32: 1>} : vector<32x32xi32>
    %add3A_114 = arith.constant 1 : i32
    %add3A_115 = vector.broadcast %add3A_114 : i32 to vector<32x32xi32>
    %add3A_116 = arith.addi %iota3A_113, %add3A_115 : vector<32x32xi32>
    %eq3A_117 = arith.cmpi eq, %iota3A_112, %add3A_116 : vector<32x32xi32>
    %jit3A_118 = arith.constant 16 : i32
    %eq3A_119 = arith.constant 0 : i32
    %eq3A_120 = arith.cmpi eq, %jit3A_118, %eq3A_119 : i32
    %jit3A_121 = arith.constant 1 : i32
    %select_n3A_122 = arith.select %eq3A_120, %jit3A_121, %jit3A_118 : i32
    %rem3A_123 = vector.broadcast %select_n3A_122 : i32 to vector<32x32xi32>
    %rem3A_124 = arith.remsi %iota3A_112, %rem3A_123 : vector<32x32xi32>
    %ne3A_125 = arith.constant 0 : i32
    %ne3A_126 = vector.broadcast %ne3A_125 : i32 to vector<32x32xi32>
    %ne3A_127 = arith.cmpi ne, %rem3A_124, %ne3A_126 : vector<32x32xi32>
    %lt3A_128 = arith.constant 0 : i32
    %lt3A_129 = vector.broadcast %lt3A_128 : i32 to vector<32x32xi32>
    %lt3A_130 = arith.cmpi slt, %rem3A_124, %lt3A_129 : vector<32x32xi32>
    %lt3A_131 = arith.constant 0 : i32
    %lt3A_132 = arith.cmpi slt, %select_n3A_122, %lt3A_131 : i32
    %ne3A_133 = vector.broadcast %lt3A_132 : i1 to vector<32x32xi1>
    %ne3A_134 = vector.broadcast %ne3A_133 : vector<32x32xi1> to vector<32x32xi1>
    %ne3A_135 = arith.xori %lt3A_130, %ne3A_134 : vector<32x32xi1>
    %and3A_136 = arith.andi %ne3A_135, %ne3A_127 : vector<32x32xi1>
    %add3A_137 = vector.broadcast %select_n3A_122 : i32 to vector<32x32xi32>
    %add3A_138 = arith.addi %rem3A_124, %add3A_137 : vector<32x32xi32>
    %select_n3A_139 = arith.select %and3A_136, %add3A_138, %rem3A_124 : vector<32x32xi1>, vector<32x32xi32>
    %ne3A_140 = arith.constant 0 : i32
    %ne3A_141 = vector.broadcast %ne3A_140 : i32 to vector<32x32xi32>
    %ne3A_142 = arith.cmpi ne, %select_n3A_139, %ne3A_141 : vector<32x32xi32>
    %and3A_143 = arith.andi %eq3A_117, %ne3A_142 : vector<32x32xi1>
    %convert_element_type3A_144 = arith.extui %and3A_143 : vector<32x32xi1> to vector<32x32xi32>
    %convert_element_type3A_145 = arith.sitofp %convert_element_type3A_144 : vector<32x32xi32> to vector<32x32xf32>
    %add3A_146 = arith.constant 1 : i32
    %add3A_147 = vector.broadcast %add3A_146 : i32 to vector<32x32xi32>
    %add3A_148 = arith.addi %iota3A_112, %add3A_147 : vector<32x32xi32>
    %eq3A_149 = arith.cmpi eq, %add3A_148, %iota3A_113 : vector<32x32xi32>
    %jit3A_150 = arith.constant 16 : i32
    %eq3A_151 = arith.constant 0 : i32
    %eq3A_152 = arith.cmpi eq, %jit3A_150, %eq3A_151 : i32
    %jit3A_153 = arith.constant 1 : i32
    %select_n3A_154 = arith.select %eq3A_152, %jit3A_153, %jit3A_150 : i32
    %rem3A_155 = vector.broadcast %select_n3A_154 : i32 to vector<32x32xi32>
    %rem3A_156 = arith.remsi %iota3A_113, %rem3A_155 : vector<32x32xi32>
    %ne3A_157 = arith.constant 0 : i32
    %ne3A_158 = vector.broadcast %ne3A_157 : i32 to vector<32x32xi32>
    %ne3A_159 = arith.cmpi ne, %rem3A_156, %ne3A_158 : vector<32x32xi32>
    %lt3A_160 = arith.constant 0 : i32
    %lt3A_161 = vector.broadcast %lt3A_160 : i32 to vector<32x32xi32>
    %lt3A_162 = arith.cmpi slt, %rem3A_156, %lt3A_161 : vector<32x32xi32>
    %lt3A_163 = arith.constant 0 : i32
    %lt3A_164 = arith.cmpi slt, %select_n3A_154, %lt3A_163 : i32
    %ne3A_165 = vector.broadcast %lt3A_164 : i1 to vector<32x32xi1>
    %ne3A_166 = vector.broadcast %ne3A_165 : vector<32x32xi1> to vector<32x32xi1>
    %ne3A_167 = arith.xori %lt3A_162, %ne3A_166 : vector<32x32xi1>
    %and3A_168 = arith.andi %ne3A_167, %ne3A_159 : vector<32x32xi1>
    %add3A_169 = vector.broadcast %select_n3A_154 : i32 to vector<32x32xi32>
    %add3A_170 = arith.addi %rem3A_156, %add3A_169 : vector<32x32xi32>
    %select_n3A_171 = arith.select %and3A_168, %add3A_170, %rem3A_156 : vector<32x32xi1>, vector<32x32xi32>
    %ne3A_172 = arith.constant 0 : i32
    %ne3A_173 = vector.broadcast %ne3A_172 : i32 to vector<32x32xi32>
    %ne3A_174 = arith.cmpi ne, %select_n3A_171, %ne3A_173 : vector<32x32xi32>
    %and3A_175 = arith.andi %eq3A_149, %ne3A_174 : vector<32x32xi1>
    %convert_element_type3A_176 = arith.extui %and3A_175 : vector<32x32xi1> to vector<32x32xi32>
    %convert_element_type3A_177 = arith.sitofp %convert_element_type3A_176 : vector<32x32xi32> to vector<32x32xf32>
    %convert_element_type3A_178 = arith.truncf %add3A_111 : vector<32x128xf32> to vector<32x128xbf16>
    %convert_element_type3A_179 = arith.extf %convert_element_type3A_178 : vector<32x128xbf16> to vector<32x128xf32>
    %get3A_180 = arith.constant 0 : index
    %get3A_181 = arith.constant 0 : index
    %get3A_182 = arith.constant 0 : index
    %get3A_183 = vector.load %arg5[%get3A_180, %get3A_181, %get3A_182] : memref<3x128x128xf32, #tpu.memory_space<vmem>>, vector<3x128x128xf32>
    %convert_element_type3A_184 = arith.truncf %get3A_183 : vector<3x128x128xf32> to vector<3x128x128xbf16>
    %convert_element_type3A_185 = arith.extf %convert_element_type3A_184 : vector<3x128x128xbf16> to vector<3x128x128xf32>
    %dot_general3A_186 = arith.constant dense<0.000000e+00> : vector<32x128xf32>
    %dot_general3A_187 = tpu.matmul %convert_element_type3A_145, %convert_element_type3A_179, %dot_general3A_186 {dimension_numbers = #tpu.dot_dimension_numbers<[1], [0], [0], [1], [0, 0, 1, 1], [], []>, precision = #tpu.contract_precision<fp32>, transpose_lhs_hint = false} : vector<32x32xf32>, vector<32x128xf32>, vector<32x128xf32> -> vector<32x128xf32>
    %dot_general3A_188 = arith.constant dense<0.000000e+00> : vector<32x128xf32>
    %dot_general3A_189 = tpu.matmul %convert_element_type3A_177, %convert_element_type3A_179, %dot_general3A_188 {dimension_numbers = #tpu.dot_dimension_numbers<[1], [0], [0], [1], [0, 0, 1, 1], [], []>, precision = #tpu.contract_precision<fp32>, transpose_lhs_hint = false} : vector<32x32xf32>, vector<32x128xf32>, vector<32x128xf32> -> vector<32x128xf32>
    %slice3A = vector.extract_strided_slice %convert_element_type3A_185 {offsets = [0, 0, 0], sizes = [1, 128, 128], strides = [1, 1, 1]} : vector<3x128x128xf32> to vector<1x128x128xf32>
    %squeeze3A = vector.shape_cast %slice3A : vector<1x128x128xf32> to vector<128x128xf32>
    %dot_general3A_190 = arith.constant dense<0.000000e+00> : vector<32x128xf32>
    %dot_general3A_191 = tpu.matmul %dot_general3A_187, %squeeze3A, %dot_general3A_190 {dimension_numbers = #tpu.dot_dimension_numbers<[1], [0], [0], [1], [0, 0, 1, 1], [], []>, precision = #tpu.contract_precision<fp32>, transpose_lhs_hint = false} : vector<32x128xf32>, vector<128x128xf32>, vector<32x128xf32> -> vector<32x128xf32>
    %slice3A_192 = vector.extract_strided_slice %convert_element_type3A_185 {offsets = [1, 0, 0], sizes = [1, 128, 128], strides = [1, 1, 1]} : vector<3x128x128xf32> to vector<1x128x128xf32>
    %squeeze3A_193 = vector.shape_cast %slice3A_192 : vector<1x128x128xf32> to vector<128x128xf32>
    %dot_general3A_194 = arith.constant dense<0.000000e+00> : vector<32x128xf32>
    %dot_general3A_195 = tpu.matmul %convert_element_type3A_179, %squeeze3A_193, %dot_general3A_194 {dimension_numbers = #tpu.dot_dimension_numbers<[1], [0], [0], [1], [0, 0, 1, 1], [], []>, precision = #tpu.contract_precision<fp32>, transpose_lhs_hint = false} : vector<32x128xf32>, vector<128x128xf32>, vector<32x128xf32> -> vector<32x128xf32>
    %add3A_196 = arith.addf %dot_general3A_191, %dot_general3A_195 : vector<32x128xf32>
    %slice3A_197 = vector.extract_strided_slice %convert_element_type3A_185 {offsets = [2, 0, 0], sizes = [1, 128, 128], strides = [1, 1, 1]} : vector<3x128x128xf32> to vector<1x128x128xf32>
    %squeeze3A_198 = vector.shape_cast %slice3A_197 : vector<1x128x128xf32> to vector<128x128xf32>
    %dot_general3A_199 = arith.constant dense<0.000000e+00> : vector<32x128xf32>
    %dot_general3A_200 = tpu.matmul %dot_general3A_189, %squeeze3A_198, %dot_general3A_199 {dimension_numbers = #tpu.dot_dimension_numbers<[1], [0], [0], [1], [0, 0, 1, 1], [], []>, precision = #tpu.contract_precision<fp32>, transpose_lhs_hint = false} : vector<32x128xf32>, vector<128x128xf32>, vector<32x128xf32> -> vector<32x128xf32>
    %add3A_201 = arith.addf %add3A_196, %dot_general3A_200 : vector<32x128xf32>
    %get3A_202 = arith.constant 0 : index
    %get3A_203 = vector.load %arg6[%get3A_202] : memref<128xf32, #tpu.memory_space<vmem>>, vector<128xf32>
    %broadcast_in_dim3A_204 = vector.shape_cast %get3A_203 : vector<128xf32> to vector<1x128xf32>
    %add3A_205 = vector.broadcast %broadcast_in_dim3A_204 : vector<1x128xf32> to vector<32x128xf32>
    %add3A_206 = arith.addf %add3A_201, %add3A_205 : vector<32x128xf32>
    %reduce_sum3A = arith.constant dense<0.000000e+00> : vector<128xf32>
    %reduce_sum3A_207 = vector.multi_reduction <add>, %add3A_206, %reduce_sum3A [0] : vector<32x128xf32> to vector<128xf32>
    %broadcast_in_dim3A_208 = vector.shape_cast %reduce_sum3A_207 : vector<128xf32> to vector<1x128xf32>
    %div3A_209 = arith.constant 3.200000e+01 : f32
    %div3A_210 = vector.broadcast %div3A_209 : f32 to vector<1x128xf32>
    %div3A_211 = arith.divf %broadcast_in_dim3A_208, %div3A_210 : vector<1x128xf32>
    %sub3A_212 = vector.broadcast %div3A_211 : vector<1x128xf32> to vector<32x128xf32>
    %sub3A_213 = arith.subf %add3A_206, %sub3A_212 : vector<32x128xf32>
    %integer_pow3A = arith.mulf %sub3A_213, %sub3A_213 : vector<32x128xf32>
    %reduce_sum3A_214 = arith.constant dense<0.000000e+00> : vector<128xf32>
    %reduce_sum3A_215 = vector.multi_reduction <add>, %integer_pow3A, %reduce_sum3A_214 [0] : vector<32x128xf32> to vector<128xf32>
    %broadcast_in_dim3A_216 = vector.shape_cast %reduce_sum3A_215 : vector<128xf32> to vector<1x128xf32>
    %div3A_217 = arith.constant 3.200000e+01 : f32
    %div3A_218 = vector.broadcast %div3A_217 : f32 to vector<1x128xf32>
    %div3A_219 = arith.divf %broadcast_in_dim3A_216, %div3A_218 : vector<1x128xf32>
    %sub3A_220 = vector.broadcast %div3A_211 : vector<1x128xf32> to vector<32x128xf32>
    %sub3A_221 = arith.subf %add3A_206, %sub3A_220 : vector<32x128xf32>
    %add3A_222 = arith.constant 9.99999974E-6 : f32
    %add3A_223 = vector.broadcast %add3A_222 : f32 to vector<1x128xf32>
    %add3A_224 = arith.addf %div3A_219, %add3A_223 : vector<1x128xf32>
    %rsqrt3A = math.rsqrt %add3A_224 : vector<1x128xf32>
    %mul3A_225 = vector.broadcast %rsqrt3A : vector<1x128xf32> to vector<32x128xf32>
    %mul3A_226 = arith.mulf %sub3A_221, %mul3A_225 : vector<32x128xf32>
    %get3A_227 = arith.constant 0 : index
    %get3A_228 = vector.load %arg7[%get3A_227] : memref<128xf32, #tpu.memory_space<vmem>>, vector<128xf32>
    %broadcast_in_dim3A_229 = vector.shape_cast %get3A_228 : vector<128xf32> to vector<1x128xf32>
    %mul3A_230 = vector.broadcast %broadcast_in_dim3A_229 : vector<1x128xf32> to vector<32x128xf32>
    %mul3A_231 = arith.mulf %mul3A_226, %mul3A_230 : vector<32x128xf32>
    %get3A_232 = arith.constant 0 : index
    %get3A_233 = vector.load %arg8[%get3A_232] : memref<128xf32, #tpu.memory_space<vmem>>, vector<128xf32>
    %broadcast_in_dim3A_234 = vector.shape_cast %get3A_233 : vector<128xf32> to vector<1x128xf32>
    %add3A_235 = vector.broadcast %broadcast_in_dim3A_234 : vector<1x128xf32> to vector<32x128xf32>
    %add3A_236 = arith.addf %mul3A_231, %add3A_235 : vector<32x128xf32>
    %max3A = arith.constant 0.000000e+00 : f32
    %max3A_237 = vector.broadcast %max3A : f32 to vector<32x128xf32>
    %max3A_238 = arith.maximumf %add3A_236, %max3A_237 : vector<32x128xf32>
    %get3A_239 = arith.constant 0 : index
    %get3A_240 = arith.constant 0 : index
    %get3A_241 = arith.constant 0 : index
    %get3A_242 = arith.constant 0 : index
    %get3A_243 = vector.load %arg0[%get3A_239, %get3A_240, %get3A_241, %get3A_242] : memref<2x16x256x128xf32, #tpu.memory_space<vmem>>, vector<2x16x256x128xf32>
    %reshape3A_244 = vector.shape_cast %get3A_243 : vector<2x16x256x128xf32> to vector<32x256x128xf32>
    %broadcast_in_dim3A_245 = vector.shape_cast %max3A_238 : vector<32x128xf32> to vector<32x1x128xf32>
    %add3A_246 = vector.broadcast %broadcast_in_dim3A_245 : vector<32x1x128xf32> to vector<32x256x128xf32>
    %add3A_247 = arith.addf %reshape3A_244, %add3A_246 : vector<32x256x128xf32>
    %reduce_sum3A_248 = arith.constant dense<0.000000e+00> : vector<32x256xf32>
    %reduce_sum3A_249 = vector.multi_reduction <add>, %add3A_247, %reduce_sum3A_248 [2] : vector<32x256x128xf32> to vector<32x256xf32>
    %broadcast_in_dim3A_250 = vector.shape_cast %reduce_sum3A_249 : vector<32x256xf32> to vector<32x256x1xf32>
    %div3A_251 = arith.constant 1.280000e+02 : f32
    %div3A_252 = vector.broadcast %div3A_251 : f32 to vector<32x256x1xf32>
    %div3A_253 = arith.divf %broadcast_in_dim3A_250, %div3A_252 : vector<32x256x1xf32>
    %sub3A_254 = vector.broadcast %div3A_253 : vector<32x256x1xf32> to vector<32x256x128xf32>
    %sub3A_255 = arith.subf %add3A_247, %sub3A_254 : vector<32x256x128xf32>
    %integer_pow3A_256 = arith.mulf %sub3A_255, %sub3A_255 : vector<32x256x128xf32>
    %reduce_sum3A_257 = arith.constant dense<0.000000e+00> : vector<32x256xf32>
    %reduce_sum3A_258 = vector.multi_reduction <add>, %integer_pow3A_256, %reduce_sum3A_257 [2] : vector<32x256x128xf32> to vector<32x256xf32>
    %broadcast_in_dim3A_259 = vector.shape_cast %reduce_sum3A_258 : vector<32x256xf32> to vector<32x256x1xf32>
    %div3A_260 = arith.constant 1.280000e+02 : f32
    %div3A_261 = vector.broadcast %div3A_260 : f32 to vector<32x256x1xf32>
    %div3A_262 = arith.divf %broadcast_in_dim3A_259, %div3A_261 : vector<32x256x1xf32>
    %sub3A_263 = vector.broadcast %div3A_253 : vector<32x256x1xf32> to vector<32x256x128xf32>
    %sub3A_264 = arith.subf %add3A_247, %sub3A_263 : vector<32x256x128xf32>
    %add3A_265 = arith.constant 9.99999974E-6 : f32
    %add3A_266 = vector.broadcast %add3A_265 : f32 to vector<32x256x1xf32>
    %add3A_267 = arith.addf %div3A_262, %add3A_266 : vector<32x256x1xf32>
    %rsqrt3A_268 = math.rsqrt %add3A_267 : vector<32x256x1xf32>
    %mul3A_269 = vector.broadcast %rsqrt3A_268 : vector<32x256x1xf32> to vector<32x256x128xf32>
    %mul3A_270 = arith.mulf %sub3A_264, %mul3A_269 : vector<32x256x128xf32>
    %get3A_271 = arith.constant 0 : index
    %get3A_272 = vector.load %arg9[%get3A_271] : memref<128xf32, #tpu.memory_space<vmem>>, vector<128xf32>
    %broadcast_in_dim3A_273 = vector.shape_cast %get3A_272 : vector<128xf32> to vector<1x1x128xf32>
    %mul3A_274 = vector.broadcast %broadcast_in_dim3A_273 : vector<1x1x128xf32> to vector<32x256x128xf32>
    %mul3A_275 = arith.mulf %mul3A_270, %mul3A_274 : vector<32x256x128xf32>
    %get3A_276 = arith.constant 0 : index
    %get3A_277 = vector.load %arg10[%get3A_276] : memref<128xf32, #tpu.memory_space<vmem>>, vector<128xf32>
    %broadcast_in_dim3A_278 = vector.shape_cast %get3A_277 : vector<128xf32> to vector<1x1x128xf32>
    %add3A_279 = vector.broadcast %broadcast_in_dim3A_278 : vector<1x1x128xf32> to vector<32x256x128xf32>
    %add3A_280 = arith.addf %mul3A_275, %add3A_279 : vector<32x256x128xf32>
    %reshape3A_281 = vector.shape_cast %add3A_280 : vector<32x256x128xf32> to vector<2x16x256x128xf32>
    %swap3A = arith.constant 0 : index
    %swap3A_282 = arith.constant 0 : index
    %swap3A_283 = arith.constant 0 : index
    %swap3A_284 = arith.constant 0 : index
    %swap3A_285 = vector.load %arg11[%swap3A, %swap3A_282, %swap3A_283, %swap3A_284] : memref<2x16x256x128xf32, #tpu.memory_space<vmem>>, vector<2x16x256x128xf32>
    tpu.vector_store %arg11[%swap3A, %swap3A_282, %swap3A_283, %swap3A_284], %reshape3A_281 {strides = array<i32>} : memref<2x16x256x128xf32, #tpu.memory_space<vmem>>, vector<2x16x256x128xf32>,
    return
  }
}

</mosaic_0001>

<sc_bundles>
// kernel: kernel.5.cloned.1.call-start
scs
__scs_entry_jumppad:
0x0: {  	(pc) =	sbr.rel $0x88, $3  }
0x1: {  	(tag) =	ssettag $0x0;
	lr =	simm.s32 $0x1  }
0x2: {  	[smem:$0x3F97] =	sst lr;
	_ =	strace $0xD0000000  }
0x3: {  	_ = 	snop  }
0x4: {  	_ = 	snop  }
0x5: {  	_ = 	snop  }
0x6: {  	_ = 	snop  }
0x7: {  	_ = 	snop  }
__scs_overlays_trampoline_lowered:
0x8: {  	[smem:$0x3FA6] =	sst s0  }
0x9: {  	[smem:$0x3FA7] =	sst s1  }
0xa: {  	[smem:$0x3FA8] =	sst s2  }
0xb: {  	[smem:$0x3FA9] =	sst s3  }
0xc: {  	[smem:$0x3FAA] =	sst s4  }
0xd: {  	[smem:$0x3FAB] =	sst s5  }
0xe: {  	[smem:$0x3FAC] =	sst s6  }
0xf: {  	[smem:$0x3FAD] =	sst s7  }
0x10: {  	[smem:$0x3FAE] =	sst s8  }
0x11: {  	[smem:$0x3FAF] =	sst s9;
	s0 =	simm.s32 @!p0 $0x0  }
0x12: {  	s1 =	sld [smem:$0x3F95];
	s0 =	simm.s32 @p0 $0x1  }
0x13: {  	[smem:$0x3FB0] =	sst s0;
	s0 =	simm.s32 @!p1 $0x0  }
0x14: {  	s2 =	sld [smem:$0x3F94];
	s0 =	simm.s32 @p1 $0x1  }
0x15: {  	[smem:$0x3FB1] =	sst s0;
	s0 =	simm.s32 @!p2 $0x0  }
0x16: {  	s3 =	sld [smem:$0x3FDB];
	s0 =	simm.s32 @p2 $0x1  }
0x17: {  	s4 =	simm.s32 $0x1BF5;
	[smem:$0x3FB3] =	sst s0  }
0x18: {  	s0 =	sld [smem:$0x3F96];
	_ =	swait.ge [sflag:s4], $0x0  }
0x19: {  	s7 =	sld [smem:$0x3F97]  }
0x1a: {  	s8 =	sadd.s32 $0xFFFFE003, lr  }
0x1b: {  	s9 =	sadd.s32 $0xFFFFFEF7, lr;
	s5 =	simm.s32 $0xFFFFFFFF;
	p2 =	slt.u32 s8, $0xFFFFF086  }
0x1c: {  	p1 =	slt.u32 s9, $0xF7A;
	s5 =	simm.s32 @!p2 $0x0  }
0x1d: {  	s5 =	simm.s32 @p1 $0x1;
	p0 =	seq.s32 s7, s2  }
0x1e: {  	s7 =	smul.u32 @!p0 $0xF7A, s2;
	p2 =	seq.s32 @!p0 s5, $0x0  }
0x1f: {  	s9 =	smul.u32 $0xF7A, s1;
	s8 =	simm.s32 @!p0 $0x1BF5;
	p2 =	por !p2, p0  }
0x20: {  	[sflag:s8] =	ssyncset.s32 @!p0 $0xFFFFF086;
	s6 =	sadd.s32 @!p0 s3, s7;
	s7 =	simm.s32 @!p0 $0x108  }
0x21: {  	s3 =	sadd.s32 s3, s9;
	s6 =	sadd.s32 @!p0 $0x88, s6;
	s7 =	simm.s32 @p2 $0x1082  }
0x22: {  	[simem:s7], [sflag:s8] =	dma.local @!p0 [hbm:s6], $0xF7A  }
0x23: {  	s9 =	sor.u32 $0xD0000000, s2;
	s6 =	simm.s32 $0x108;
	_ =	swait.ge @!p0 [sflag:s8], $0x0  }
0x24: {  	s3 =	sadd.s32 $0x88, s3;
	s6 =	simm.s32 @!p1 $0x1082;
	[sflag:s4] =	ssyncset.s32 $0xFFFFF086  }
0x25: {  	[simem:s6], [sflag:s4] =	dma.local [hbm:s3], $0xF7A  }
0x26: {  	[smem:$0x3F97] =	sst s1;
	(tag) =	ssettag s2;
	_ =	strace s9  }
0x27: {  	s1 =	sld [smem:$0x3FA7]  }
0x28: {  	s2 =	sld [smem:$0x3FA8]  }
0x29: {  	s4 =	sld [smem:$0x3FAA]  }
0x2a: {  	p0 =	seq.s32 s5, $0x0;
	s5 =	sld [smem:$0x3FAB]  }
0x2b: {  	s6 =	sld [smem:$0x3FAC]  }
0x2c: {  	s7 =	sld [smem:$0x3FAD]  }
0x2d: {  	s3 =	simm.s32 $0x108;
	s8 =	sld [smem:$0x3FAE]  }
0x2e: {  	s3 =	simm.s32 @!p0 $0x1082;
	s9 =	sld [smem:$0x3FAF]  }
0x2f: {  	lr =	sadd.s32 s0, s3;
	s0 =	sld [smem:$0x3FA6]  }
0x30: {  	s3 =	sld [smem:$0x3FA9]  }
0x31: {  	[smem:$0x3FB2] =	sst s10  }
0x32: {  	s10 =	sld [smem:$0x3FB0];
	_ =	sdelay $0x3  }
0x33: {  	p0 =	seq.s32 s10, $0x1;
	s10 =	sld [smem:$0x3FB2];
	_ =	sdelay $0x3  }
0x34: {  	[smem:$0x3FB2] =	sst s10  }
0x35: {  	s10 =	sld [smem:$0x3FB1];
	_ =	sdelay $0x3  }
0x36: {  	p1 =	seq.s32 s10, $0x1;
	s10 =	sld [smem:$0x3FB2];
	_ =	sdelay $0x3  }
0x37: {  	[smem:$0x3FB2] =	sst s10  }
0x38: {  	s10 =	sld [smem:$0x3FB3]  }
0x39: {  	_ = 	snop;
	(pc) =	sbr.ind lr, $3  }
0x3a: {  	_ = 	snop  }
0x3b: {  	_ = 	snop  }
0x3c: {  	p2 =	seq.s32 s10, $0x1;
	s10 =	sld [smem:$0x3FB2]  }
0x3d: {  	_ =	shalt  }
0x3e: {  	_ =	shalt  }
0x3f: {  	_ =	shalt  }
0x40: {  	_ =	shalt  }
0x41: {  	_ =	shalt  }
0x42: {  	_ =	shalt  }
0x43: {  	_ =	shalt  }
0x44: {  	_ =	shalt  }
0x45: {  	_ =	shalt  }
0x46: {  	_ =	shalt  }
0x47: {  	_ =	shalt  }
0x48: {  	_ =	shalt  }
0x49: {  	_ =	shalt  }
0x4a: {  	_ =	shalt  }
0x4b: {  	_ =	shalt  }
0x4c: {  	_ =	shalt  }
0x4d: {  	_ =	shalt  }
0x4e: {  	_ =	shalt  }
0x4f: {  	_ =	shalt  }
0x50: {  	_ =	shalt  }
0x51: {  	_ =	shalt  }
0x52: {  	_ =	shalt  }
0x53: {  	_ =	shalt  }
0x54: {  	_ =	shalt  }
0x55: {  	_ =	shalt  }
0x56: {  	_ =	shalt  }
0x57: {  	_ =	shalt  }
0x58: {  	_ =	shalt  }
0x59: {  	_ =	shalt  }
0x5a: {  	_ =	shalt  }
0x5b: {  	_ =	shalt  }
0x5c: {  	_ =	shalt  }
0x5d: {  	_ =	shalt  }
0x5e: {  	_ =	shalt  }
0x5f: {  	_ =	shalt  }
0x60: {  	_ =	shalt  }
0x61: {  	_ =	shalt  }
0x62: {  	_ =	shalt  }
0x63: {  	_ =	shalt  }
0x64: {  	_ =	shalt  }
0x65: {  	_ =	shalt  }
0x66: {  	_ =	shalt  }
0x67: {  	_ =	shalt  }
0x68: {  	_ =	shalt  }
0x69: {  	_ =	shalt  }
0x6a: {  	_ =	shalt  }
0x6b: {  	_ =	shalt  }
0x6c: {  	_ =	shalt  }
0x6d: {  	_ =	shalt  }
0x6e: {  	_ =	shalt  }
0x6f: {  	_ =	shalt  }
0x70: {  	_ =	shalt  }
0x71: {  	_ =	shalt  }
0x72: {  	_ =	shalt  }
0x73: {  	_ =	shalt  }
0x74: {  	_ =	shalt  }
0x75: {  	_ =	shalt  }
0x76: {  	_ =	shalt  }
0x77: {  	_ =	shalt  }
0x78: {  	_ =	shalt  }
0x79: {  	_ =	shalt  }
0x7a: {  	_ =	shalt  }
0x7b: {  	_ =	shalt  }
0x7c: {  	_ =	shalt  }
0x7d: {  	_ =	shalt  }
0x7e: {  	_ =	shalt  }
0x7f: {  	_ =	shalt  }
0x80: {  	_ =	shalt  }
0x81: {  	_ =	shalt  }
0x82: {  	_ =	shalt  }
0x83: {  	_ =	shalt  }
0x84: {  	_ =	shalt  }
0x85: {  	_ =	shalt  }
0x86: {  	_ =	shalt  }
0x87: {  	_ =	shalt  }
.Lfunc_end0:
.L_simem_size_0:
called_computation_lowered:
.L_overlay_start_0:
0x88: {  	s2 =	sld [smem:$0x3FD9]  }
0x89: {  	s3 =	sld [smem:$0x3FFE];
	_ =	sdelay $0x1  }
0x8a: {  	s1 =	srdreg.scid  }
0x8b: {  	s0 =	sand.u32 $0x1, s1  }
0x8c: {  	s18 =	sshll.u32 s0, $0xA;
	s2 =	sadd.s32 s3, s2  }
0x8d: {  	s2 =	sadd.s32 s2, s18  }
0x8e: {  	[smem:$0x3FBE] =	sst s2  }
0x8f: {  	_ = 	snop  }
0x90: {  	s2 =	sld [smem:$0x3FC8]  }
0x91: {  	s19 =	sld [smem:$0x3FD0];
	(tm) =	ssettm $0x1  }
0x92: {  	s4 =	sld [smem:$0x3FFB];
	_ =	sdelay $0x3  }
0x93: {  	_ =	strace s4  }
0x94: {  	s4 =	sld [smem:$0x3FFC];
	_ =	sdelay $0x3  }
0x95: {  	_ =	strace s4  }
0x96: {  	s4 =	sld [smem:$0x3FFD];
	_ =	sdelay $0x3  }
0x97: {  	_ =	strace s4  }
0x98: {  	_ =	strace $0x8FFFFFFF  }
0x99: {  	s20 =	sld [smem:$0x3FDB];
	_ =	sdelay $0x1  }
0x9a: {  	s5 =	simm.s32 $_scs_section_size  }
0x9b: {  	s6 =	simm.s32 $_size__tile_overlayer_lowered;
	s7 =	simm.s32 $_tile_overlayer_lowered  }
0x9c: {  	s23 =	simm.s32 $0x1BFF;
	s22 =	sshll.u32 s7, $0x1;
	s4 =	sadd.s32 s5, s20  }
0x9d: {  	s8 =	simm.s32 $0x0;
	s21 =	sshll.u32 s6, $0x1;
	s6 =	sadd.s32 s22, s4  }
0x9e: {  	[timem:s8], [sflag:s23] =	dma.local [hbm:s6], s21  }
0x9f: {  	_ =	swait.ge [sflag:s23], s21  }
0xa0: {  	s5 =	ssub.s32 $0x0, s21;
	[sflag:s23] =	ssyncset.done $0x0  }
0xa1: {  	[sflag:s23] =	ssyncadd.s32 s5;
	_ =	sdelay $0x1  }
0xa2: {  	s24 =	simm.s32 $0x1B8B  }
0xa3: {  	_ =	swait.ge [sflag:s24], $0x1  }
0xa4: {  	[sflag:s24] =	ssyncset.done $0x0  }
0xa5: {  	s25 =	simm.s32 $0x1B8E;
	[sflag:s24] =	ssyncadd.s32 $0xFFFFFFFF  }
0xa6: {  	s26 =	simm.s32 $execute0_lowered;
	[smem:$0x3FD2] =	sst s25  }
0xa7: {  	s5 =	sshll.u32 s26, $0x1;
	_ =	strace $0x80000046;
	[dreg:$0x1] =	wrdreg $0xFFFFFFFF  }
0xa8: {  	s28 =	simm.s32 $_size_execute0_lowered;
	s4 =	sadd.s32 s4, s5;
	[dreg:$0x0] =	wrdreg $0x0  }
0xa9: {  	s5 =	sshll.u32 s28, $0x1;
	[dreg:$0x2] =	wrdreg s4  }
0xaa: {  	[dreg:$0x3] =	wrdreg s5  }
0xab: {  	[dreg:$0x4] =	wrdreg $0xC0  }
0xac: {  	_ =	task [dreg:s8], $0x5FFFF  }
0xad: {  	[dreg:$0x1] =	wrdreg $0xFFFFFFFF  }
0xae: {  	[dreg:$0x0] =	wrdreg $0x60  }
0xaf: {  	[dreg:$0x2] =	wrdreg s2  }
0xb0: {  	[dreg:$0x3] =	wrdreg s19  }
0xb1: {  	[dreg:$0x4] =	wrdreg $0x9  }
0xb2: {  	_ =	task.clear_ibuf [dreg:s8], $0x5FFFF;
	_ =	strace $0x90000046  }
0xb3: {  	s29 =	simm.s32 $0x9;
	_ =	strace $0x80000048  }
0xb4: {  	_ =	swait.ge [sflag:s29], $0x1  }
0xb5: {  	[sflag:s29] =	ssyncadd.s32 $0xFFFFFFFF  }
0xb6: {  	_ =	strace $0x90000048  }
0xb7: {  	_ =	sfence  }
0xb8: {  	s30 =	sld [smem:$0x0];
	_ =	sdelay $0x2  }
0xb9: {  	s31 =	sshll.u32 s1, $0xD;
	s1 =	sshrl.u32 s1, $0x2  }
0xba: {  	s3 =	sand.u32 $0x4000, s31;
	s1 =	sadd.s32 s1, s30  }
0xbb: {  	s0 =	sor.u32 s3, s0;
	s1 =	sshll.u32 s1, $0x11  }
0xbc: {  	s0 =	sor.u32 s1, s0  }
0xbd: {  	s0 =	sadd.s32 $0x8F2B, s0  }
0xbe: {  	[sflag:s0] =	ssyncadd.remote.s32 $0x1  }
0xbf: {  	_ =	sfence.sel $0xFFFF  }
0xc0: {  	[dreg:$0x0] =	wrdreg $0xFFFFFFFF;
	(pc) =	sbr.abs _section_cstart, $3  }
0xc1: {  	[dreg:$0x1] =	wrdreg $0xFFFFFFFF  }
0xc2: {  	_ =	task.clear_ibuf [dreg:s8], $0x2FFFF;
	_ =	strace $0x9FFFFFFF  }
0xc3: {  	(tm) =	ssettm $0x7FFFFFFF  }
tec
execute0_lowered:
.L_overlay_start_1:
0x0: {  	(tag) =	ssettag $0x1  }
0x1: {  	s4 =	rddreg [dreg:$0x0]  }
0x2: {  	s6 =	rddreg [dreg:$0x1];
	s1 =	srdreg.scid  }
0x3: {  	s0 =	rddreg [dreg:$0x2];
	s2 =	simm.s32 $0x0;
	s11 =	simm.s32 $0x200  }
0x4: {  	s12 =	simm.s32 $0x400;
	s13 =	simm.s32 $0x8000;
	s14 =	simm.s32 $0x1  }
0x5: {  	s15 =	simm.s32 $0x2;
	s16 =	simm.s32 $0x80;
	s17 =	simm.s32 $0x100  }
0x6: {  	s18 =	simm.s32 $0x10000;
	s19 =	simm.s32 $0x3;
	s20 =	simm.s32 $0x12000  }
0x7: {  	s21 =	simm.s32 $0x0;
	s3 =	sand.u32 $0x1, s1;
	s1 =	stileid.u32  }
0x8: {  	[smem:$0x7FF] =	sst s2;
	s5 =	ssub.s32 $0x2, s3;
	s8 =	sshll.u32 s1, $0x1  }
.Ltmp0:
0x9: {  	_ =	strace $0x80000047;
	s30 =	sor.u32 s3, s8;
	(pc) =	sbr.rel .LBB2_1-.Ltmp0, $4  }
0xa: {  	s7 =	sshrl.u32 s5, $0x1;
	s3 =	sadd.s32 $0x40, s4;
	s10 =	sshll.u32 s30, $0x10  }
0xb: {  	s9 =	ssub.s32 s5, s7;
	s31 =	sshll.u32 s30, $0xB;
	s4 =	sadd.s32 s4, s10  }
0xc: {  	s5 =	sadd.s32 s10, s3;
	s6 =	sadd.s32 s6, s31;
	s8 =	smax.u32 s9, $0x1  }
0xd: {  	v0 =	vimm.f32 $0.0e+00;
	s10 =	sor.u32 $0x3000, s10;
	s7 =	sadd.s32 $0x10, s6;
	s9 =	sadd.s32 $0x2000, s4  }
.LBB2_10:
0xe: {  	[hbm4b:s6+s16] =	stream.strided.scatter [tilespmem:s18], [sflag:$0x3], $0x2000, s17, s16, $0x38;
	[tilespmem:$0x14000] =	vst v63  }
0xf: {  	s21 =	sadd.s32 $0x1, s21;
	_ =	swait.ge [sflag:s19], $0x2000  }
0x10: {  	p0 =	sne.s32 s21, s8;
	[sflag:s19] =	ssyncset.done $0x0  }
.Ltmp1:
0x11: {  	[sflag:s19] =	ssyncadd.s32 $0xFFFFE000;
	(pc) =	sbr.rel @!p0 .LBB2_11-.Ltmp1, $4  }
0x12: {  	[hbm4b:s7+s16] =	stream.strided.scatter [tilespmem:s20], [sflag:$0x3], $0x2000, s17, s16, $0x38;
	[tilespmem:$0x14000] =	vst v63  }
0x13: {  	_ =	swait.ge [sflag:s19], $0x2000  }
0x14: {  	[sflag:s19] =	ssyncset.done $0x0  }
0x15: {  	[sflag:s19] =	ssyncadd.s32 $0xFFFFE000  }
.LBB2_1:
0x16: {  	[tilespmem:s2], [sflag:$0x1] =	stream.strided.gather [hbm4b:s4+s11], $0x8000, s12, s11, $0x38;
	[tilespmem:$0x14000] =	vst v63  }
0x17: {  	s23 =	simm.s32 $0x10040  }
0x18: {  	[tilespmem:s13], [sflag:$0x2] =	stream.strided.gather [hbm4b:s5+s11], $0x8000, s12, s11, $0x38;
	[tilespmem:$0x14000] =	vst v63  }
0x19: {  	[tilespmem:s23+$0x30] =	vst v0  }
0x1a: {  	[tilespmem:s23+$0xFFFFFFF0] =	vst v0  }
0x1b: {  	[tilespmem:s23+$0xFFFFFFC0] =	vst v0  }
0x1c: {  	[tilespmem:s23+$0xFFFFFFE0] =	vst v0  }
0x1d: {  	[tilespmem:s23+$0x10] =	vst v0  }
0x1e: {  	[tilespmem:s23+$0x20] =	vst v0  }
0x1f: {  	[tilespmem:s23+$0x0] =	vst v0  }
0x20: {  	s24 =	simm.s32 $0x12040;
	[tilespmem:s23+$0xFFFFFFD0] =	vst v0  }
0x21: {  	[tilespmem:s24+$0xFFFFFFC0] =	vst v0  }
0x22: {  	[tilespmem:s24+$0x30] =	vst v0  }
0x23: {  	[tilespmem:s24+$0x20] =	vst v0  }
0x24: {  	[tilespmem:s24+$0x10] =	vst v0  }
0x25: {  	[tilespmem:s24+$0xFFFFFFE0] =	vst v0  }
0x26: {  	[tilespmem:s24+$0x0] =	vst v0  }
0x27: {  	s25 =	simm.s32 $0x0;
	[tilespmem:s24+$0xFFFFFFF0] =	vst v0  }
.LBB2_2:
0x28: {  	s25 =	sadd.s32 $0x8, s25;
	[tilespmem:s24+$0xFFFFFFD0] =	vst v0;
	s23 =	sadd.s32 $0x80, s23;
	s24 =	sadd.s32 $0x80, s24  }
0x29: {  	[tilespmem:s23+$0x30] =	vst v0;
	p0 =	slt.u32 s25, $0x1F8  }
0x2a: {  	[tilespmem:s23+$0xFFFFFFF0] =	vst v0  }
0x2b: {  	[tilespmem:s23+$0xFFFFFFC0] =	vst v0  }
0x2c: {  	[tilespmem:s24+$0xFFFFFFC0] =	vst v0  }
0x2d: {  	[tilespmem:s24+$0x30] =	vst v0  }
0x2e: {  	[tilespmem:s23+$0xFFFFFFE0] =	vst v0  }
0x2f: {  	[tilespmem:s23+$0x10] =	vst v0  }
0x30: {  	[tilespmem:s23+$0x20] =	vst v0  }
0x31: {  	[tilespmem:s24+$0x20] =	vst v0  }
0x32: {  	[tilespmem:s24+$0x10] =	vst v0  }
.Ltmp2:
0x33: {  	[tilespmem:s24+$0xFFFFFFE0] =	vst v0;
	(pc) =	sbr.rel @p0 .LBB2_2-.Ltmp2, $4  }
0x34: {  	[tilespmem:s23+$0x0] =	vst v0  }
0x35: {  	[tilespmem:s24+$0x0] =	vst v0  }
0x36: {  	[tilespmem:s24+$0xFFFFFFF0] =	vst v0  }
0x37: {  	s22 =	simm.s32 $0x0;
	[tilespmem:s23+$0xFFFFFFD0] =	vst v0  }
0x38: {  	[tilespmem:s24+$0xFFFFFFD0] =	vst v0  }
.LBB2_4:
0x39: {  	_ =	swait.ge [sflag:s14], $0x8000  }
0x3a: {  	[sflag:s14] =	ssyncset.done $0x0  }
0x3b: {  	s23 =	simm.s32 $0x100;
	[sflag:s14] =	ssyncadd.s32 $0xFFFF8000  }
0x3c: {  	v1 =	vld [tilespmem:s23+$0xFFFFFF70]  }
0x3d: {  	v2 =	vld [tilespmem:s23+$0xFFFFFFF0]  }
0x3e: {  	v3 =	vld [tilespmem:s23+$0x70]  }
0x3f: {  	v4 =	vld [tilespmem:s23+$0xF0]  }
0x40: {  	v5 =	vld [tilespmem:s23+$0xFFFFFF80]  }
0x41: {  	v6 =	vld [tilespmem:s23+$0x0]  }
0x42: {  	v7 =	vld [tilespmem:s23+$0x80]  }
0x43: {  	v8 =	vld [tilespmem:s23+$0xFFFFFF10]  }
0x44: {  	v9 =	vld [tilespmem:s23+$0xFFFFFF90]  }
0x45: {  	v10 =	vld [tilespmem:s23+$0x10]  }
0x46: {  	v11 =	vld [tilespmem:s23+$0x90]  }
0x47: {  	v12 =	vld [tilespmem:s23+$0xFFFFFF20]  }
0x48: {  	v13 =	vld [tilespmem:s23+$0xFFFFFFA0]  }
0x49: {  	v14 =	vld [tilespmem:s23+$0x20]  }
0x4a: {  	v15 =	vld [tilespmem:s23+$0xA0]  }
0x4b: {  	v16 =	vld [tilespmem:s23+$0xFFFFFF30]  }
0x4c: {  	v17 =	vld [tilespmem:s23+$0xFFFFFFB0]  }
0x4d: {  	v18 =	vld [tilespmem:s23+$0x30]  }
0x4e: {  	v19 =	vld [tilespmem:s23+$0xB0]  }
0x4f: {  	v20 =	vld [tilespmem:s23+$0xFFFFFF40]  }
0x50: {  	v21 =	vld [tilespmem:s23+$0xFFFFFFC0]  }
0x51: {  	v22 =	vld [tilespmem:s23+$0x40]  }
0x52: {  	v23 =	vld [tilespmem:s23+$0xC0]  }
0x53: {  	v24 =	vld [tilespmem:s23+$0xFFFFFF50]  }
0x54: {  	v25 =	vld [tilespmem:s23+$0xFFFFFFD0]  }
0x55: {  	v26 =	vld [tilespmem:s23+$0x50]  }
0x56: {  	v51 =	vld [tilespmem:s23+$0xFFFFFF60];
	v1 =	vadd.f32 v2, v1;
	v2 =	vadd.f32 v4, v3  }
0x57: {  	v3 =	vld [tilespmem:s23+$0xD0];
	v49 =	vadd.f32 v9, v8;
	v50 =	vadd.f32 v11, v10  }
0x58: {  	v54 =	vld [tilespmem:s23+$0xFFFFFFE0];
	v52 =	vadd.f32 v13, v12;
	v53 =	vadd.f32 v15, v14  }
0x59: {  	v56 =	vld [tilespmem:s23+$0xE0];
	v57 =	vadd.f32 v17, v16;
	v58 =	vadd.f32 v19, v18  }
0x5a: {  	v60 =	vadd.f32 v21, v20;
	v1 =	vadd.f32 v2, v1;
	v2 =	vld [tilespmem:s23+$0x60]  }
0x5b: {  	v59 =	vld [tilespmem:s23+$0xFFFFFF00];
	v61 =	vadd.f32 v23, v22;
	v4 =	vadd.f32 v50, v49;
	s23 =	simm.s32 $0x10070  }
0x5c: {  	[tilespmem:s23+$0x0] =	vst.add.f32.msk $0xffff, v1;
	v1 =	vadd.f32 v25, v24;
	v3 =	vadd.f32 v3, v26  }
0x5d: {  	v55 =	vadd.f32 v53, v52;
	v10 =	vadd.f32 v58, v57  }
0x5e: {  	v62 =	vadd.f32 v61, v60;
	[tilespmem:s23+$0xFFFFFFA0] =	vst.add.f32.msk $0xffff, v4;
	v1 =	vadd.f32 v3, v1  }
0x5f: {  	[tilespmem:s23+$0xFFFFFFB0] =	vst.add.f32.msk $0xffff, v55;
	v3 =	vadd.f32 v54, v51;
	v2 =	vadd.f32 v56, v2  }
0x60: {  	v6 =	vadd.f32 v7, v6;
	v63 =	vadd.f32 v5, v59;
	[tilespmem:s23+$0xFFFFFFC0] =	vst.add.f32.msk $0xffff, v10  }
0x61: {  	[tilespmem:s23+$0xFFFFFFD0] =	vst.add.f32.msk $0xffff, v62;
	v2 =	vadd.f32 v2, v3  }
0x62: {  	s24 =	simm.s32 $0x0;
	s26 =	simm.s32 $0x300;
	s25 =	simm.s32 $0x10070;
	[tilespmem:s23+$0xFFFFFFE0] =	vst.add.f32.msk $0xffff, v1;
	v1 =	vadd.f32 v6, v63  }
.LBB2_5:
0x63: {  	v3 =	vld [tilespmem:s26+$0xFFFFFF70];
	v4 =	vmov v2  }
0x64: {  	v2 =	vld [tilespmem:s26+$0xFFFFFFF0]  }
0x65: {  	v5 =	vld [tilespmem:s26+$0x70]  }
0x66: {  	s24 =	sadd.s32 $0x8, s24;
	v6 =	vld [tilespmem:s26+$0xF0]  }
0x67: {  	p0 =	slt.u32 s24, $0x1F8;
	v7 =	vld [tilespmem:s26+$0xFFFFFF80]  }
0x68: {  	v8 =	vld [tilespmem:s26+$0x0]  }
0x69: {  	v9 =	vld [tilespmem:s26+$0x80]  }
0x6a: {  	v10 =	vld [tilespmem:s26+$0xFFFFFF10]  }
0x6b: {  	v2 =	vadd.f32 v2, v3;
	v11 =	vld [tilespmem:s26+$0xFFFFFF90];
	v3 =	vadd.f32 v6, v5  }
0x6c: {  	v5 =	vld [tilespmem:s26+$0x10]  }
0x6d: {  	v6 =	vld [tilespmem:s26+$0x90];
	v2 =	vadd.f32 v3, v2  }
0x6e: {  	s23 =	sadd.s32 $0x80, s23;
	v3 =	vadd.f32 v9, v8;
	v8 =	vld [tilespmem:s26+$0xFFFFFF20]  }
0x6f: {  	[tilespmem:s23+$0x0] =	vst.add.f32.msk $0xffff, v2  }
0x70: {  	v2 =	vadd.f32 v11, v10;
	v9 =	vld [tilespmem:s26+$0xFFFFFFA0]  }
0x71: {  	v10 =	vld [tilespmem:s26+$0x20]  }
0x72: {  	v5 =	vadd.f32 v6, v5;
	v6 =	vld [tilespmem:s26+$0xA0]  }
0x73: {  	v11 =	vld [tilespmem:s26+$0xFFFFFF30]  }
0x74: {  	v2 =	vadd.f32 v5, v2;
	v5 =	vld [tilespmem:s26+$0xFFFFFFB0]  }
0x75: {  	v8 =	vadd.f32 v9, v8;
	v9 =	vld [tilespmem:s26+$0x30]  }
0x76: {  	v12 =	vld [tilespmem:s26+$0xB0]  }
0x77: {  	v6 =	vadd.f32 v6, v10;
	v10 =	vld [tilespmem:s26+$0xFFFFFF40]  }
0x78: {  	v13 =	vld [tilespmem:s26+$0xFFFFFFC0]  }
0x79: {  	v6 =	vadd.f32 v6, v8;
	v5 =	vadd.f32 v5, v11;
	v8 =	vld [tilespmem:s26+$0x40]  }
0x7a: {  	v11 =	vld [tilespmem:s26+$0xC0]  }
0x7b: {  	v9 =	vadd.f32 v12, v9;
	v12 =	vld [tilespmem:s26+$0xFFFFFF50]  }
0x7c: {  	v14 =	vld [tilespmem:s26+$0xFFFFFFD0]  }
0x7d: {  	v5 =	vadd.f32 v9, v5;
	v9 =	vadd.f32 v13, v10;
	v10 =	vld [tilespmem:s26+$0x50]  }
0x7e: {  	v13 =	vld [tilespmem:s26+$0xD0]  }
0x7f: {  	v8 =	vadd.f32 v11, v8;
	v11 =	vld [tilespmem:s26+$0xFFFFFF60]  }
0x80: {  	v15 =	vld [tilespmem:s26+$0xFFFFFFE0]  }
0x81: {  	v8 =	vadd.f32 v8, v9;
	v9 =	vadd.f32 v14, v12;
	v12 =	vld [tilespmem:s26+$0x60]  }
0x82: {  	v14 =	vld [tilespmem:s26+$0xE0]  }
0x83: {  	v16 =	vld [tilespmem:s26+$0xFFFFFF00];
	v10 =	vadd.f32 v13, v10  }
0x84: {  	[tilespmem:s25+$0xFFFFFF90] =	vst.add.f32.msk $0xffff, v1  }
0x85: {  	[tilespmem:s23+$0xFFFFFFA0] =	vst.add.f32.msk $0xffff, v2;
	v1 =	vadd.f32 v10, v9;
	v2 =	vadd.f32 v15, v11  }
.Ltmp3:
0x86: {  	[tilespmem:s23+$0xFFFFFFB0] =	vst.add.f32.msk $0xffff, v6;
	(pc) =	sbr.rel @p0 .LBB2_5-.Ltmp3, $4  }
0x87: {  	[tilespmem:s23+$0xFFFFFFC0] =	vst.add.f32.msk $0xffff, v5;
	v5 =	vadd.f32 v14, v12  }
0x88: {  	v6 =	vadd.f32 v7, v16;
	[tilespmem:s23+$0xFFFFFFD0] =	vst.add.f32.msk $0xffff, v8  }
0x89: {  	[tilespmem:s23+$0xFFFFFFE0] =	vst.add.f32.msk $0xffff, v1;
	v2 =	vadd.f32 v5, v2  }
0x8a: {  	s26 =	sadd.s32 $0x200, s26;
	v1 =	vadd.f32 v3, v6;
	[tilespmem:s25+$0xFFFFFFF0] =	vst.add.f32.msk $0xffff, v4;
	s25 =	smov.u32 s23  }
0x8b: {  	p0 =	seq.s32 s22, $0x7  }
0x8c: {  	[tilespmem:s25+$0xFFFFFFF0] =	vst.add.f32.msk $0xffff, v2;
	s23 =	sshll.u32 @!p0 s22, $0xD;
	s24 =	simm.s32 @!p0 $0x200  }
0x8d: {  	[tilespmem:s25+$0xFFFFFF90] =	vst.add.f32.msk $0xffff, v1;
	s25 =	simm.s32 @!p0 $0x400;
	s26 =	simm.s32 @!p0 $0x0;
	s23 =	sadd.s32 @!p0 s9, s23  }
0x8e: {  	[tilespmem:s26], [sflag:$0x1] =	stream.strided.gather @!p0 [hbm4b:s23+s24], $0x8000, s25, s24, $0x38;
	[tilespmem:$0x14000] =	vst v63  }
0x8f: {  	_ =	swait.ge [sflag:s15], $0x8000  }
0x90: {  	[sflag:s15] =	ssyncset.done $0x0  }
0x91: {  	s31 =	simm.s32 $0x8100;
	[sflag:s15] =	ssyncadd.s32 $0xFFFF8000  }
0x92: {  	v1 =	vld [tilespmem:s31+$0xFFFFFF70]  }
0x93: {  	v2 =	vld [tilespmem:s31+$0xFFFFFFF0]  }
0x94: {  	v3 =	vld [tilespmem:s31+$0x70]  }
0x95: {  	v4 =	vld [tilespmem:s31+$0xF0]  }
0x96: {  	v5 =	vld [tilespmem:s31+$0xFFFFFF80]  }
0x97: {  	v6 =	vld [tilespmem:s31+$0x0]  }
0x98: {  	v7 =	vld [tilespmem:s31+$0x80]  }
0x99: {  	v8 =	vld [tilespmem:s31+$0xFFFFFF10]  }
0x9a: {  	v9 =	vld [tilespmem:s31+$0xFFFFFF90]  }
0x9b: {  	v10 =	vld [tilespmem:s31+$0x10]  }
0x9c: {  	v11 =	vld [tilespmem:s31+$0x90]  }
0x9d: {  	v12 =	vld [tilespmem:s31+$0xFFFFFF20]  }
0x9e: {  	v13 =	vld [tilespmem:s31+$0xFFFFFFA0]  }
0x9f: {  	v14 =	vld [tilespmem:s31+$0x20]  }
0xa0: {  	v15 =	vld [tilespmem:s31+$0xA0]  }
0xa1: {  	v16 =	vld [tilespmem:s31+$0xFFFFFF30]  }
0xa2: {  	v17 =	vld [tilespmem:s31+$0xFFFFFFB0]  }
0xa3: {  	v18 =	vld [tilespmem:s31+$0x30]  }
0xa4: {  	v19 =	vld [tilespmem:s31+$0xB0]  }
0xa5: {  	v20 =	vld [tilespmem:s31+$0xFFFFFF40]  }
0xa6: {  	v21 =	vld [tilespmem:s31+$0xFFFFFFC0]  }
0xa7: {  	v22 =	vld [tilespmem:s31+$0x40]  }
0xa8: {  	v23 =	vld [tilespmem:s31+$0xC0]  }
0xa9: {  	v24 =	vld [tilespmem:s31+$0xFFFFFF50]  }
0xaa: {  	v25 =	vld [tilespmem:s31+$0xFFFFFFD0]  }
0xab: {  	v26 =	vld [tilespmem:s31+$0x50]  }
0xac: {  	v51 =	vld [tilespmem:s31+$0xFFFFFF60];
	v1 =	vadd.f32 v2, v1;
	v2 =	vadd.f32 v4, v3  }
0xad: {  	v3 =	vld [tilespmem:s31+$0xD0];
	v49 =	vadd.f32 v9, v8;
	v50 =	vadd.f32 v11, v10  }
0xae: {  	v54 =	vld [tilespmem:s31+$0xFFFFFFE0];
	v52 =	vadd.f32 v13, v12;
	v53 =	vadd.f32 v15, v14  }
0xaf: {  	v56 =	vld [tilespmem:s31+$0xE0];
	v57 =	vadd.f32 v17, v16;
	v58 =	vadd.f32 v19, v18  }
0xb0: {  	v60 =	vadd.f32 v21, v20;
	v1 =	vadd.f32 v2, v1;
	v2 =	vld [tilespmem:s31+$0x60]  }
0xb1: {  	s23 =	simm.s32 $0x10070;
	v59 =	vld [tilespmem:s31+$0xFFFFFF00];
	v61 =	vadd.f32 v23, v22;
	v4 =	vadd.f32 v50, v49  }
0xb2: {  	[tilespmem:s23+$0x0] =	vst.add.f32.msk $0xffff, v1;
	v1 =	vadd.f32 v25, v24;
	v3 =	vadd.f32 v3, v26  }
0xb3: {  	v55 =	vadd.f32 v53, v52;
	v10 =	vadd.f32 v58, v57  }
0xb4: {  	v62 =	vadd.f32 v61, v60;
	[tilespmem:s23+$0xFFFFFFA0] =	vst.add.f32.msk $0xffff, v4;
	v1 =	vadd.f32 v3, v1  }
0xb5: {  	[tilespmem:s23+$0xFFFFFFB0] =	vst.add.f32.msk $0xffff, v55;
	v3 =	vadd.f32 v54, v51;
	v2 =	vadd.f32 v56, v2  }
0xb6: {  	v6 =	vadd.f32 v7, v6;
	v63 =	vadd.f32 v5, v59;
	[tilespmem:s23+$0xFFFFFFC0] =	vst.add.f32.msk $0xffff, v10  }
0xb7: {  	[tilespmem:s23+$0xFFFFFFD0] =	vst.add.f32.msk $0xffff, v62;
	v2 =	vadd.f32 v2, v3  }
0xb8: {  	s24 =	simm.s32 $0x0;
	s26 =	simm.s32 $0x8300;
	s25 =	simm.s32 $0x10070;
	[tilespmem:s23+$0xFFFFFFE0] =	vst.add.f32.msk $0xffff, v1;
	v1 =	vadd.f32 v6, v63  }
.LBB2_7:
0xb9: {  	v3 =	vld [tilespmem:s26+$0xFFFFFF70];
	v4 =	vmov v2  }
0xba: {  	v2 =	vld [tilespmem:s26+$0xFFFFFFF0]  }
0xbb: {  	v5 =	vld [tilespmem:s26+$0x70]  }
0xbc: {  	s24 =	sadd.s32 $0x8, s24;
	v6 =	vld [tilespmem:s26+$0xF0]  }
0xbd: {  	p1 =	slt.u32 s24, $0x1F8;
	v7 =	vld [tilespmem:s26+$0xFFFFFF80]  }
0xbe: {  	v8 =	vld [tilespmem:s26+$0x0]  }
0xbf: {  	v9 =	vld [tilespmem:s26+$0x80]  }
0xc0: {  	v10 =	vld [tilespmem:s26+$0xFFFFFF10]  }
0xc1: {  	v2 =	vadd.f32 v2, v3;
	v11 =	vld [tilespmem:s26+$0xFFFFFF90];
	v3 =	vadd.f32 v6, v5  }
0xc2: {  	v5 =	vld [tilespmem:s26+$0x10]  }
0xc3: {  	v6 =	vld [tilespmem:s26+$0x90];
	v2 =	vadd.f32 v3, v2  }
0xc4: {  	s23 =	sadd.s32 $0x80, s23;
	v3 =	vadd.f32 v9, v8;
	v8 =	vld [tilespmem:s26+$0xFFFFFF20]  }
0xc5: {  	[tilespmem:s23+$0x0] =	vst.add.f32.msk $0xffff, v2  }
0xc6: {  	v2 =	vadd.f32 v11, v10;
	v9 =	vld [tilespmem:s26+$0xFFFFFFA0]  }
0xc7: {  	v10 =	vld [tilespmem:s26+$0x20]  }
0xc8: {  	v5 =	vadd.f32 v6, v5;
	v6 =	vld [tilespmem:s26+$0xA0]  }
0xc9: {  	v11 =	vld [tilespmem:s26+$0xFFFFFF30]  }
0xca: {  	v2 =	vadd.f32 v5, v2;
	v5 =	vld [tilespmem:s26+$0xFFFFFFB0]  }
0xcb: {  	v8 =	vadd.f32 v9, v8;
	v9 =	vld [tilespmem:s26+$0x30]  }
0xcc: {  	v12 =	vld [tilespmem:s26+$0xB0]  }
0xcd: {  	v6 =	vadd.f32 v6, v10;
	v10 =	vld [tilespmem:s26+$0xFFFFFF40]  }
0xce: {  	v13 =	vld [tilespmem:s26+$0xFFFFFFC0]  }
0xcf: {  	v6 =	vadd.f32 v6, v8;
	v5 =	vadd.f32 v5, v11;
	v8 =	vld [tilespmem:s26+$0x40]  }
0xd0: {  	v11 =	vld [tilespmem:s26+$0xC0]  }
0xd1: {  	v9 =	vadd.f32 v12, v9;
	v12 =	vld [tilespmem:s26+$0xFFFFFF50]  }
0xd2: {  	v14 =	vld [tilespmem:s26+$0xFFFFFFD0]  }
0xd3: {  	v5 =	vadd.f32 v9, v5;
	v9 =	vadd.f32 v13, v10;
	v10 =	vld [tilespmem:s26+$0x50]  }
0xd4: {  	v13 =	vld [tilespmem:s26+$0xD0]  }
0xd5: {  	v8 =	vadd.f32 v11, v8;
	v11 =	vld [tilespmem:s26+$0xFFFFFF60]  }
0xd6: {  	v15 =	vld [tilespmem:s26+$0xFFFFFFE0]  }
0xd7: {  	v8 =	vadd.f32 v8, v9;
	v9 =	vadd.f32 v14, v12;
	v12 =	vld [tilespmem:s26+$0x60]  }
0xd8: {  	v14 =	vld [tilespmem:s26+$0xE0]  }
0xd9: {  	v16 =	vld [tilespmem:s26+$0xFFFFFF00];
	v10 =	vadd.f32 v13, v10  }
0xda: {  	[tilespmem:s25+$0xFFFFFF90] =	vst.add.f32.msk $0xffff, v1  }
0xdb: {  	[tilespmem:s23+$0xFFFFFFA0] =	vst.add.f32.msk $0xffff, v2;
	v1 =	vadd.f32 v10, v9;
	v2 =	vadd.f32 v15, v11  }
.Ltmp4:
0xdc: {  	[tilespmem:s23+$0xFFFFFFB0] =	vst.add.f32.msk $0xffff, v6;
	(pc) =	sbr.rel @p1 .LBB2_7-.Ltmp4, $4  }
0xdd: {  	[tilespmem:s23+$0xFFFFFFC0] =	vst.add.f32.msk $0xffff, v5;
	v5 =	vadd.f32 v14, v12  }
0xde: {  	v6 =	vadd.f32 v7, v16;
	[tilespmem:s23+$0xFFFFFFD0] =	vst.add.f32.msk $0xffff, v8  }
0xdf: {  	[tilespmem:s23+$0xFFFFFFE0] =	vst.add.f32.msk $0xffff, v1;
	v2 =	vadd.f32 v5, v2  }
0xe0: {  	s26 =	sadd.s32 $0x200, s26;
	v1 =	vadd.f32 v3, v6;
	[tilespmem:s25+$0xFFFFFFF0] =	vst.add.f32.msk $0xffff, v4;
	s25 =	smov.u32 s23  }
.Ltmp5:
0xe1: {  	(pc) =	sbr.rel @p0 .LBB2_10-.Ltmp5, $3  }
0xe2: {  	_ =	sdelay $0x1  }
0xe3: {  	[tilespmem:s25+$0xFFFFFFF0] =	vst.add.f32.msk $0xffff, v2  }
0xe4: {  	[tilespmem:s25+$0xFFFFFF90] =	vst.add.f32.msk $0xffff, v1  }
.Ltmp6:
0xe5: {  	s23 =	sshll.u32 s22, $0xD;
	(pc) =	sbr.rel .LBB2_4-.Ltmp6, $4  }
0xe6: {  	s23 =	sadd.s32 s10, s23  }
0xe7: {  	s23 =	sand.u32 $0x1FFFE000, s23  }
0xe8: {  	s22 =	sadd.s32 $0x1, s22;
	s23 =	sadd.s32 s23, s3  }
0xe9: {  	[tilespmem:s13], [sflag:$0x2] =	stream.strided.gather [hbm4b:s23+s11], $0x8000, s12, s11, $0x38;
	[tilespmem:$0x14000] =	vst v63  }
.LBB2_11:
0xea: {  	_ =	sfence.sel $0x180000  }
0xeb: {  	[bflag:$0x0] =	sbarrier.arrive $0xFFFF  }
0xec: {  	p0 =	sne.s32 s1, $0x0;
	_ =	strace $0x90000047  }
0xed: {  	s0 =	sadd.s32 @!p0 $0x100000, s0;
	[bflag:$0x2] =	sbarrier.arrive $0xFFFF  }
0xee: {  	[sflag:s0] =	ssyncadd.tile.s32 @!p0 $0x1;
	_ =	shalt  }
.Lfunc_end2:
_tile_overlayer_lowered:
.L_overlay_start_2:
0xef: {  	(tag) =	ssettag $0x2  }
0xf0: {  	s0 =	rddreg [dreg:$0x0];
	s2 =	stileid.u32  }
0xf1: {  	s1 =	rddreg [dreg:$0x1];
	p0 =	sne.s32 s2, $0x0  }
0xf2: {  	s3 =	rddreg [dreg:$0x2];
	[bflag:$0x3] =	sbarrier.arrive $0xFFFF;
	s2 =	simm.s32 @!p0 $0x1C03  }
0xf3: {  	[timem:s3], [sflag:s2] =	dma.local @!p0 [hbm:s0], s1  }
0xf4: {  	s0 =	simm.s32 @!p0 $0x3  }
0xf5: {  	_ =	swait.ge @!p0 [sflag:s0], s1  }
0xf6: {  	s1 =	ssub.s32 @!p0 $0x0, s1;
	[sflag:s0] =	ssyncset.done @!p0 $0x0  }
0xf7: {  	[sflag:s0] =	ssyncadd.s32 @!p0 s1  }
0xf8: {  	[bflag:$0x3] =	sbarrier.arrive $0xFFFF  }
0xf9: {  	_ =	shalt  }

</sc_bundles>
